<compile_context>
chip_gen: v7x
topology: tpu7x:2x2x1
jax: 0.10.2.dev20260603
libtpu: 0.0.44.dev20260713+nightly
codegen_flags: <defaults>
</compile_context>

<pallas_src>
import functools

import jax
import jax.numpy as jnp
from jax import lax
from jax.experimental import pallas as pl
from jax.experimental.pallas import tpu as pltpu
from jax.experimental.pallas import tpu_sc as plsc

_B = 16384
_D = 64
_V = 1000000
_NC = 2
_NS = 16
_NW = _NC * _NS
_CHW = 512
_NG = 61
_NGE = 62
_WCOLS = _NG * _CHW
_TAILC = 999936
_TAILB = 999872
_SEG = 768
_DUMP = _B
_OROWS = _B + _NW

_mesh = plsc.VectorSubcoreMesh(core_axis_name="c", subcore_axis_name="s")


@functools.partial(
    pl.kernel,
    mesh=_mesh,
    out_type=jax.ShapeDtypeStruct((_OROWS, 128), jnp.float32),
    scratch_types=[
        pltpu.VMEM((_SEG,), jnp.int32),
        pltpu.VMEM((_SEG,), jnp.int32),
        pltpu.VMEM((64,), jnp.int32),
        pltpu.VMEM((_D, _CHW), jnp.float32),
        pltpu.VMEM((_D, _CHW), jnp.float32),
        pltpu.VMEM((_D, 128), jnp.float32),
        pltpu.VMEM((128, 128), jnp.float32),
        pltpu.SemaphoreType.DMA,
        pltpu.SemaphoreType.DMA,
        pltpu.SemaphoreType.DMA,
    ],
    compiler_params=pltpu.CompilerParams(needs_layout_passes=False),
)
def _stream_gather(sids_hbm, ord_hbm, ends_hbm, wt_hbm, tail_hbm, out_hbm,
                   ord_v, sids_v, ends_v, buf0, buf1, tail_v, stag,
                   sem0, sem1, ssem):
    wid = lax.axis_index("s") * _NC + lax.axis_index("c")
    pltpu.sync_copy(sids_hbm.at[wid], sids_v)
    pltpu.sync_copy(ends_hbm.at[wid], ends_v)
    pltpu.sync_copy(ord_hbm.at[wid], ord_v)
    pltpu.sync_copy(tail_hbm, tail_v)

    bufs = (buf0, buf1)
    sems = (sem0, sem1)
    iot = lax.iota(jnp.int32, 16)
    col0 = wid * _WCOLS

    def lane_splat(vec, lane):
        return lax.gather(
            vec,
            jnp.full((16, 1), lane, jnp.int32),
            lax.GatherDimensionNumbers(
                offset_dims=(), collapsed_slice_dims=(0,),
                start_index_map=(0,)),
            (1,),
            mode=lax.GatherScatterMode.PROMISE_IN_BOUNDS,
        )

    def chunk_desc(g, b):
        return pltpu.make_async_copy(
            wt_hbm.at[:, pl.ds(col0 + g * _CHW, _CHW)], bufs[b], sems[b]
        )

    def ring_wait():
        pltpu.make_async_copy(
            out_hbm.at[pl.ds(0, 16), :], stag.at[pl.ds(0, 16), :], ssem
        ).wait()

    def fire_group(q):
        oidx = ord_v[pl.ds(q * 16, 16)]
        pltpu.async_copy(
            stag.at[pl.ds((q % 8) * 16, 16), :], out_hbm.at[oidx], ssem
        )

    def extract(g, m, buf, c0=None):
        if c0 is None:
            c0 = col0 + g * _CHW

        def body(mm, carry, buf=buf, c0=c0):
            @pl.when(jnp.logical_and(mm & 15 == 0, mm >= 128))
            def _():
                ring_wait()
            sv = sids_v[pl.ds((mm >> 4) * 16, 16)]
            cc = lane_splat(sv, mm & 15) - c0
            for a in range(4):
                v = plsc.load_gather(buf, [iot + 16 * a, cc])
                stag[mm % 128, pl.ds(16 * a, 16)] = v
            @pl.when(mm & 15 == 15)
            def _():
                fire_group(mm >> 4)
            return carry

        ev = ends_v[pl.ds((g >> 4) * 16, 16)]
        mg = jnp.max(jnp.where(iot == (g & 15), ev, 0))
        lax.fori_loop(m, mg, body, 0)
        return mg

    chunk_desc(0, 0).start()

    def pair(gp, m):
        g0 = gp * 2
        chunk_desc(g0 + 1, 1).start()
        chunk_desc(g0, 0).wait()
        m = extract(g0, m, buf0)
        @pl.when(gp < (_NGE // 2) - 1)
        def _():
            chunk_desc(g0 + 2, 0).start()
        chunk_desc(g0 + 1, 1).wait()
        m = extract(g0 + 1, m, buf1)
        return m

    m_main = lax.fori_loop(0, _NGE // 2, pair, jnp.int32(0))
    nw = extract(_NGE, m_main, tail_v, c0=jnp.int32(_TAILB))
    @pl.when(nw & 15 != 0)
    def _():
        fire_group(nw >> 4)
    outstanding = jnp.minimum((nw + 15) >> 4, 8)

    def drain(_, carry):
        ring_wait()
        return carry

    lax.fori_loop(0, outstanding, drain, 0)


def kernel(input_ids, weight):
    ids = input_ids.astype(jnp.int32)
    order = jnp.argsort(ids).astype(jnp.int32)
    sids = ids[order]

    wb = jnp.where(jnp.arange(33) == 32, _V,
                   jnp.arange(33, dtype=jnp.int32) * _WCOLS).astype(jnp.int32)
    starts = jnp.searchsorted(sids, wb).astype(jnp.int32)

    cb = jnp.minimum(
        (_NG * jnp.arange(_NW, dtype=jnp.int32)[:, None]
         + jnp.arange(_NGE, dtype=jnp.int32)[None, :] + 1) * _CHW, _TAILC)
    cends = jnp.searchsorted(sids, cb.reshape(-1)).astype(jnp.int32)
    cends = cends.reshape(_NW, _NGE)
    ends = jnp.clip(
        jnp.minimum(cends, starts[1:, None]) - starts[:32, None], 0, _SEG)
    seg_len = jnp.clip(starts[1:, None] - starts[:32, None], 0, _SEG)
    ends = jnp.concatenate([ends, seg_len], axis=1)
    ends = jnp.pad(ends, ((0, 0), (0, 64 - _NGE - 1)))

    kk = jnp.arange(_SEG, dtype=jnp.int32)[None, :]
    pos = starts[:32, None] + kk
    valid = pos < starts[1:, None]
    posc = jnp.clip(pos, 0, _B - 1)
    both = jnp.take(jnp.concatenate([sids, order]),
                    (posc[None] + jnp.array([0, _B], jnp.int32)[:, None, None]
                     ).reshape(-1)).reshape(2, _NW, _SEG)
    sids_pad = both[0]
    dump = _DUMP + jnp.arange(_NW, dtype=jnp.int32)[:, None]
    ord_pad = jnp.where(valid, both[1], dump)

    wt = weight.T
    tail_blk = lax.slice(wt, (0, _TAILB), (_D, _V))
    out = _stream_gather(sids_pad, ord_pad, ends, wt, tail_blk)
    return out[:_B, :_D].astype(jnp.bfloat16)

# --- scband reference (transcript-rebuilt; emitter-appended) ---
"""Pipeline reference for scband-sparse-embedding-18141941858639 (READ-ONLY COPY).

The authoritative reference and input builder live on the scoring server;
editing this copy changes nothing except your own understanding.
"""

import jax, jax.numpy as jnp
import numpy as np

NUM_EMBEDDINGS = 1000000
EMBEDDING_DIM = 64
BATCH_SIZE = 16384
INIT_STD = 0.02


def setup_inputs(seed: int = 0) -> dict:
    key = jax.random.key(seed)
    k_ids, k_w = jax.random.split(key)
    input_ids = jax.random.randint(k_ids, (BATCH_SIZE,), 0, NUM_EMBEDDINGS, dtype=jnp.int64 if jax.config.jax_enable_x64 else jnp.int32).astype(jnp.int32)
    # trunc_normal_(mean=0, std=0.02, a=-2*std, b=2*std)
    weight = jax.random.truncated_normal(k_w, -2.0, 2.0, (NUM_EMBEDDINGS, EMBEDDING_DIM), dtype=jnp.float32) * INIT_STD
    return {"input_ids": input_ids, "weight": weight}


def reference(input_ids, weight):
    # Training path of SparseEmbedding.forward: local_weight.copy_(weight[input_ids]);
    # return local_weight.to(bfloat16). Mathematically: gather rows, cast to bf16.
    gathered = jnp.take(weight, input_ids, axis=0)
    return gathered.astype(jnp.bfloat16)

if __name__ == "__main__":
    import jax
    _d = setup_inputs()
    print(jax.jit(kernel)(*tuple(_d.values())))

</pallas_src>

<mosaic_0001>
#map = affine_map<(d0, d1) -> (0, 0)>
module attributes {stable_mosaic.version = 14 : i64} {
  func.func @_stream_gather(%arg0: i32, %arg1: i32, %arg2: memref<32x768xi32, #tpu.memory_space<hbm>>, %arg3: memref<32x768xi32, #tpu.memory_space<hbm>>, %arg4: memref<32x64xi32, #tpu.memory_space<hbm>>, %arg5: memref<64x1000000xf32, #tpu.memory_space<hbm>>, %arg6: memref<64x128xf32, #tpu.memory_space<hbm>>, %arg7: memref<16416x128xf32, #tpu.memory_space<hbm>>, %arg8: memref<768xi32, #tpu.memory_space<vmem>>, %arg9: memref<768xi32, #tpu.memory_space<vmem>>, %arg10: memref<64xi32, #tpu.memory_space<vmem>>, %arg11: memref<64x512xf32, #tpu.memory_space<vmem>>, %arg12: memref<64x512xf32, #tpu.memory_space<vmem>>, %arg13: memref<64x128xf32, #tpu.memory_space<vmem>>, %arg14: memref<128x128xf32, #tpu.memory_space<vmem>>, %arg15: memref<!tpu.dma_semaphore, #tpu.memory_space<semaphore_mem>>, %arg16: memref<!tpu.dma_semaphore, #tpu.memory_space<semaphore_mem>>, %arg17: memref<!tpu.dma_semaphore, #tpu.memory_space<semaphore_mem>>) attributes {dimension_semantics = [#tpu.dimension_semantics<core_parallel>, #tpu.dimension_semantics<subcore_parallel>], iteration_bounds = array<i64: 2, 16>, scalar_prefetch = 0 : i64, scratch_operands = 10 : i64, tpu.core_type = #tpu.core_type<sc_vector_subcore>, window_params = [{transform_indices = #map}, {transform_indices = #map}, {transform_indices = #map}, {transform_indices = #map}, {transform_indices = #map}, {transform_indices = #map}]} {
    %mul3A = arith.constant 2 : i32
    %mul3A_0 = arith.muli %arg1, %mul3A : i32
    %add3A = arith.addi %mul3A_0, %arg0 : i32
    "tpu.region"() ({
      %run_scoped3A = tpu.sem_alloc : memref<!tpu.dma_semaphore, #tpu.memory_space<semaphore_mem>>
      %dma_start3A_50 = arith.constant 0 : i32
      %dma_start3A_51 = tpu.memref_slice %arg2[%add3A, %dma_start3A_50] : memref<32x768xi32, #tpu.memory_space<hbm>> -> memref<1x768xi32, #tpu.memory_space<hbm>>
      %dma_start3A_52 = tpu.memref_squeeze %dma_start3A_51 : memref<1x768xi32, #tpu.memory_space<hbm>> -> memref<768xi32, #tpu.memory_space<hbm>>
      %dma_start3A_53 = arith.constant 0 : i32
      %dma_start3A_54 = tpu.memref_slice %arg2[%add3A, %dma_start3A_53] : memref<32x768xi32, #tpu.memory_space<hbm>> -> memref<1x768xi32, #tpu.memory_space<hbm>>
      %dma_start3A_55 = tpu.memref_squeeze %dma_start3A_54 : memref<1x768xi32, #tpu.memory_space<hbm>> -> memref<768xi32, #tpu.memory_space<hbm>>
      tpu.enqueue_dma source(%dma_start3A_55 : memref<768xi32, #tpu.memory_space<hbm>>) target(%arg9 : memref<768xi32, #tpu.memory_space<vmem>>) target_semaphore(%run_scoped3A : memref<!tpu.dma_semaphore, #tpu.memory_space<semaphore_mem>>)
      %dma_wait3A = arith.constant 0 : i32
      %dma_wait3A_56 = tpu.memref_slice %arg2[%add3A, %dma_wait3A] : memref<32x768xi32, #tpu.memory_space<hbm>> -> memref<1x768xi32, #tpu.memory_space<hbm>>
      %dma_wait3A_57 = tpu.memref_squeeze %dma_wait3A_56 : memref<1x768xi32, #tpu.memory_space<hbm>> -> memref<768xi32, #tpu.memory_space<hbm>>
      %dma_wait3A_58 = arith.constant 0 : i32
      %dma_wait3A_59 = tpu.memref_slice %arg2[%add3A, %dma_wait3A_58] : memref<32x768xi32, #tpu.memory_space<hbm>> -> memref<1x768xi32, #tpu.memory_space<hbm>>
      %dma_wait3A_60 = tpu.memref_squeeze %dma_wait3A_59 : memref<1x768xi32, #tpu.memory_space<hbm>> -> memref<768xi32, #tpu.memory_space<hbm>>
      tpu.wait_dma2 semaphore(%run_scoped3A : memref<!tpu.dma_semaphore, #tpu.memory_space<semaphore_mem>>) src(%dma_wait3A_60 : memref<768xi32, #tpu.memory_space<hbm>>) dst(%arg9 : memref<768xi32, #tpu.memory_space<vmem>>)
      tpu.yield
    }) : () -> ()
    "tpu.region"() ({
      %run_scoped3A = tpu.sem_alloc : memref<!tpu.dma_semaphore, #tpu.memory_space<semaphore_mem>>
      %dma_start3A_50 = arith.constant 0 : i32
      %dma_start3A_51 = tpu.memref_slice %arg4[%add3A, %dma_start3A_50] : memref<32x64xi32, #tpu.memory_space<hbm>> -> memref<1x64xi32, #tpu.memory_space<hbm>>
      %dma_start3A_52 = tpu.memref_squeeze %dma_start3A_51 : memref<1x64xi32, #tpu.memory_space<hbm>> -> memref<64xi32, #tpu.memory_space<hbm>>
      %dma_start3A_53 = arith.constant 0 : i32
      %dma_start3A_54 = tpu.memref_slice %arg4[%add3A, %dma_start3A_53] : memref<32x64xi32, #tpu.memory_space<hbm>> -> memref<1x64xi32, #tpu.memory_space<hbm>>
      %dma_start3A_55 = tpu.memref_squeeze %dma_start3A_54 : memref<1x64xi32, #tpu.memory_space<hbm>> -> memref<64xi32, #tpu.memory_space<hbm>>
      tpu.enqueue_dma source(%dma_start3A_55 : memref<64xi32, #tpu.memory_space<hbm>>) target(%arg10 : memref<64xi32, #tpu.memory_space<vmem>>) target_semaphore(%run_scoped3A : memref<!tpu.dma_semaphore, #tpu.memory_space<semaphore_mem>>)
      %dma_wait3A = arith.constant 0 : i32
      %dma_wait3A_56 = tpu.memref_slice %arg4[%add3A, %dma_wait3A] : memref<32x64xi32, #tpu.memory_space<hbm>> -> memref<1x64xi32, #tpu.memory_space<hbm>>
      %dma_wait3A_57 = tpu.memref_squeeze %dma_wait3A_56 : memref<1x64xi32, #tpu.memory_space<hbm>> -> memref<64xi32, #tpu.memory_space<hbm>>
      %dma_wait3A_58 = arith.constant 0 : i32
      %dma_wait3A_59 = tpu.memref_slice %arg4[%add3A, %dma_wait3A_58] : memref<32x64xi32, #tpu.memory_space<hbm>> -> memref<1x64xi32, #tpu.memory_space<hbm>>
      %dma_wait3A_60 = tpu.memref_squeeze %dma_wait3A_59 : memref<1x64xi32, #tpu.memory_space<hbm>> -> memref<64xi32, #tpu.memory_space<hbm>>
      tpu.wait_dma2 semaphore(%run_scoped3A : memref<!tpu.dma_semaphore, #tpu.memory_space<semaphore_mem>>) src(%dma_wait3A_60 : memref<64xi32, #tpu.memory_space<hbm>>) dst(%arg10 : memref<64xi32, #tpu.memory_space<vmem>>)
      tpu.yield
    }) : () -> ()
    "tpu.region"() ({
      %run_scoped3A = tpu.sem_alloc : memref<!tpu.dma_semaphore, #tpu.memory_space<semaphore_mem>>
      %dma_start3A_50 = arith.constant 0 : i32
      %dma_start3A_51 = tpu.memref_slice %arg3[%add3A, %dma_start3A_50] : memref<32x768xi32, #tpu.memory_space<hbm>> -> memref<1x768xi32, #tpu.memory_space<hbm>>
      %dma_start3A_52 = tpu.memref_squeeze %dma_start3A_51 : memref<1x768xi32, #tpu.memory_space<hbm>> -> memref<768xi32, #tpu.memory_space<hbm>>
      %dma_start3A_53 = arith.constant 0 : i32
      %dma_start3A_54 = tpu.memref_slice %arg3[%add3A, %dma_start3A_53] : memref<32x768xi32, #tpu.memory_space<hbm>> -> memref<1x768xi32, #tpu.memory_space<hbm>>
      %dma_start3A_55 = tpu.memref_squeeze %dma_start3A_54 : memref<1x768xi32, #tpu.memory_space<hbm>> -> memref<768xi32, #tpu.memory_space<hbm>>
      tpu.enqueue_dma source(%dma_start3A_55 : memref<768xi32, #tpu.memory_space<hbm>>) target(%arg8 : memref<768xi32, #tpu.memory_space<vmem>>) target_semaphore(%run_scoped3A : memref<!tpu.dma_semaphore, #tpu.memory_space<semaphore_mem>>)
      %dma_wait3A = arith.constant 0 : i32
      %dma_wait3A_56 = tpu.memref_slice %arg3[%add3A, %dma_wait3A] : memref<32x768xi32, #tpu.memory_space<hbm>> -> memref<1x768xi32, #tpu.memory_space<hbm>>
      %dma_wait3A_57 = tpu.memref_squeeze %dma_wait3A_56 : memref<1x768xi32, #tpu.memory_space<hbm>> -> memref<768xi32, #tpu.memory_space<hbm>>
      %dma_wait3A_58 = arith.constant 0 : i32
      %dma_wait3A_59 = tpu.memref_slice %arg3[%add3A, %dma_wait3A_58] : memref<32x768xi32, #tpu.memory_space<hbm>> -> memref<1x768xi32, #tpu.memory_space<hbm>>
      %dma_wait3A_60 = tpu.memref_squeeze %dma_wait3A_59 : memref<1x768xi32, #tpu.memory_space<hbm>> -> memref<768xi32, #tpu.memory_space<hbm>>
      tpu.wait_dma2 semaphore(%run_scoped3A : memref<!tpu.dma_semaphore, #tpu.memory_space<semaphore_mem>>) src(%dma_wait3A_60 : memref<768xi32, #tpu.memory_space<hbm>>) dst(%arg8 : memref<768xi32, #tpu.memory_space<vmem>>)
      tpu.yield
    }) : () -> ()
    "tpu.region"() ({
      %run_scoped3A = tpu.sem_alloc : memref<!tpu.dma_semaphore, #tpu.memory_space<semaphore_mem>>
      tpu.enqueue_dma source(%arg6 : memref<64x128xf32, #tpu.memory_space<hbm>>) target(%arg13 : memref<64x128xf32, #tpu.memory_space<vmem>>) target_semaphore(%run_scoped3A : memref<!tpu.dma_semaphore, #tpu.memory_space<semaphore_mem>>)
      tpu.wait_dma2 semaphore(%run_scoped3A : memref<!tpu.dma_semaphore, #tpu.memory_space<semaphore_mem>>) src(%arg6 : memref<64x128xf32, #tpu.memory_space<hbm>>) dst(%arg13 : memref<64x128xf32, #tpu.memory_space<vmem>>)
      tpu.yield
    }) : () -> ()
    %iota3A = tpu.iota {dimensions = array<i32: 0>} : vector<16xi32>
    %mul3A_1 = arith.constant 31232 : i32
    %mul3A_2 = arith.muli %add3A, %mul3A_1 : i32
    %add3A_3 = arith.constant 0 : i32
    %add3A_4 = arith.addi %mul3A_2, %add3A_3 : i32
    %dma_start3A = arith.constant 0 : i32
    %dma_start3A_5 = tpu.memref_slice %arg5[%dma_start3A, %add3A_4] : memref<64x1000000xf32, #tpu.memory_space<hbm>> -> memref<64x512xf32, #tpu.memory_space<hbm>>
    %dma_start3A_6 = arith.constant 0 : i32
    %dma_start3A_7 = tpu.memref_slice %arg5[%dma_start3A_6, %add3A_4] : memref<64x1000000xf32, #tpu.memory_space<hbm>> -> memref<64x512xf32, #tpu.memory_space<hbm>>
    tpu.enqueue_dma source(%dma_start3A_7 : memref<64x512xf32, #tpu.memory_space<hbm>>) target(%arg11 : memref<64x512xf32, #tpu.memory_space<vmem>>) target_semaphore(%arg15 : memref<!tpu.dma_semaphore, #tpu.memory_space<semaphore_mem>>)
    %scan3A = arith.constant 0 : i32
    %scan3A_8 = arith.constant 0 : i32
    %scan3A_9 = arith.constant 31 : i32
    %scan3A_10 = arith.addi %scan3A_8, %scan3A_9 : i32
    %scan3A_11 = arith.constant 1 : i32
    %scan3A_12 = scf.for %scan3A_50 = %scan3A_8 to %scan3A_10 step %scan3A_11 iter_args(%scan3A_51 = %scan3A) -> (i32)  : i32 {
      %mul3A_52 = arith.constant 2 : i32
      %mul3A_53 = arith.muli %scan3A_50, %mul3A_52 : i32
      %add3A_54 = arith.constant 1 : i32
      %add3A_55 = arith.addi %mul3A_53, %add3A_54 : i32
      %mul3A_56 = arith.constant 512 : i32
      %mul3A_57 = arith.muli %add3A_55, %mul3A_56 : i32
      %add3A_58 = arith.addi %mul3A_2, %mul3A_57 : i32
      %dma_start3A_59 = arith.constant 0 : i32
      %dma_start3A_60 = tpu.memref_slice %arg5[%dma_start3A_59, %add3A_58] : memref<64x1000000xf32, #tpu.memory_space<hbm>> -> memref<64x512xf32, #tpu.memory_space<hbm>>
      %dma_start3A_61 = arith.constant 0 : i32
      %dma_start3A_62 = tpu.memref_slice %arg5[%dma_start3A_61, %add3A_58] : memref<64x1000000xf32, #tpu.memory_space<hbm>> -> memref<64x512xf32, #tpu.memory_space<hbm>>
      tpu.enqueue_dma source(%dma_start3A_62 : memref<64x512xf32, #tpu.memory_space<hbm>>) target(%arg12 : memref<64x512xf32, #tpu.memory_space<vmem>>) target_semaphore(%arg16 : memref<!tpu.dma_semaphore, #tpu.memory_space<semaphore_mem>>)
      %mul3A_63 = arith.constant 512 : i32
      %mul3A_64 = arith.muli %mul3A_53, %mul3A_63 : i32
      %add3A_65 = arith.addi %mul3A_2, %mul3A_64 : i32
      %dma_wait3A = arith.constant 0 : i32
      %dma_wait3A_66 = tpu.memref_slice %arg5[%dma_wait3A, %add3A_65] : memref<64x1000000xf32, #tpu.memory_space<hbm>> -> memref<64x512xf32, #tpu.memory_space<hbm>>
      %dma_wait3A_67 = arith.constant 0 : i32
      %dma_wait3A_68 = tpu.memref_slice %arg5[%dma_wait3A_67, %add3A_65] : memref<64x1000000xf32, #tpu.memory_space<hbm>> -> memref<64x512xf32, #tpu.memory_space<hbm>>
      tpu.wait_dma2 semaphore(%arg15 : memref<!tpu.dma_semaphore, #tpu.memory_space<semaphore_mem>>) src(%dma_wait3A_68 : memref<64x512xf32, #tpu.memory_space<hbm>>) dst(%arg11 : memref<64x512xf32, #tpu.memory_space<vmem>>)
      %mul3A_69 = arith.constant 512 : i32
      %mul3A_70 = arith.muli %mul3A_53, %mul3A_69 : i32
      %add3A_71 = arith.addi %mul3A_2, %mul3A_70 : i32
      %shift_right_arithmetic3A_72 = arith.constant 4 : i32
      %shift_right_arithmetic3A_73 = arith.shrsi %mul3A_53, %shift_right_arithmetic3A_72 : i32
      %mul3A_74 = arith.constant 16 : i32
      %mul3A_75 = arith.muli %shift_right_arithmetic3A_73, %mul3A_74 : i32
      %get3A_76 = arith.index_cast %mul3A_75 : i32 to index
      %get3A_77 = tpu.vector_load %arg10[%get3A_76] {strides = array<i32>} : memref<64xi32, #tpu.memory_space<vmem>>, vector<16xi32>,
      %and3A_78 = arith.constant 15 : i32
      %and3A_79 = arith.andi %mul3A_53, %and3A_78 : i32
      %eq3A_80 = vector.broadcast %and3A_79 : i32 to vector<16xi32>
      %eq3A_81 = arith.cmpi eq, %iota3A, %eq3A_80 : vector<16xi32>
      %jit3A_82 = arith.constant 0 : i32
      %broadcast_in_dim3A_83 = vector.broadcast %jit3A_82 : i32 to vector<16xi32>
      %select_n3A_84 = arith.select %eq3A_81, %get3A_77, %broadcast_in_dim3A_83 : vector<16xi1>, vector<16xi32>
      %reduce_max3A_85 = arith.constant true
      %reduce_max3A_86 = vector.broadcast %reduce_max3A_85 : i1 to vector<16xi1>
      %reduce_max3A_87 = arith.constant -2147483648 : i32
      %reduce_max3A_88 = vector.broadcast %reduce_max3A_87 : i32 to vector<16xi32>
      %reduce_max3A_89 = arith.xori %select_n3A_84, %reduce_max3A_88 : vector<16xi32>
      %reduce_max3A_90 = tpu.scan <max>, %reduce_max3A_89 masked %reduce_max3A_86 : vector<16xi32>, vector<16xi1> -> vector<16xi32>
      %reduce_max3A_91 = arith.xori %reduce_max3A_90, %reduce_max3A_88 : vector<16xi32>
      %reduce_max3A_92 = vector.extract %reduce_max3A_91[15] : i32 from vector<16xi32>
      %while3A_93 = arith.constant 0 : i32
      %while3A_94 = arith.subi %reduce_max3A_92, %scan3A_51 : i32
      %while3A_95 = arith.addi %scan3A_51, %while3A_94 : i32
      %while3A_96 = arith.constant 1 : i32
      %while3A_97 = arith.divsi %while3A_94, %while3A_96 : i32
      %while3A_98 = arith.muli %while3A_97, %while3A_96 : i32
      %while3A_99 = arith.addi %scan3A_51, %while3A_98 : i32
      %while3A_100 = arith.constant 1 : i32
      scf.for %while3A_150 = %scan3A_51 to %while3A_99 step %while3A_100  : i32 {
        %and3A_151 = arith.constant 15 : i32
        %and3A_152 = arith.andi %while3A_150, %and3A_151 : i32
        %eq3A_153 = arith.constant 0 : i32
        %eq3A_154 = arith.cmpi eq, %and3A_152, %eq3A_153 : i32
        %ge3A = arith.constant 128 : i32
        %ge3A_155 = arith.cmpi sge, %while3A_150, %ge3A : i32
        %and3A_156 = arith.andi %eq3A_154, %ge3A_155 : i1
        %convert_element_type3A_157 = arith.extui %and3A_156 : i1 to i32
        %cond3A_158 = arith.constant 0 : i32
        %cond3A_159 = arith.cmpi ne, %convert_element_type3A_157, %cond3A_158 : i32
        scf.if %cond3A_159 {
          %dma_wait3A_268 = arith.constant 0 : i32
          %dma_wait3A_269 = arith.constant 0 : i32
          %dma_wait3A_270 = tpu.memref_slice %arg14[%dma_wait3A_268, %dma_wait3A_269] : memref<128x128xf32, #tpu.memory_space<vmem>> -> memref<16x128xf32, #tpu.memory_space<vmem>>
          %dma_wait3A_271 = arith.constant 0 : i32
          %dma_wait3A_272 = arith.constant 0 : i32
          %dma_wait3A_273 = tpu.memref_slice %arg7[%dma_wait3A_271, %dma_wait3A_272] : memref<16416x128xf32, #tpu.memory_space<hbm>> -> memref<16x128xf32, #tpu.memory_space<hbm>>
          %dma_wait3A_274 = arith.constant 0 : i32
          %dma_wait3A_275 = arith.constant 0 : i32
          %dma_wait3A_276 = tpu.memref_slice %arg14[%dma_wait3A_274, %dma_wait3A_275] : memref<128x128xf32, #tpu.memory_space<vmem>> -> memref<16x128xf32, #tpu.memory_space<vmem>>
          %dma_wait3A_277 = arith.constant 0 : i32
          %dma_wait3A_278 = arith.constant 0 : i32
          %dma_wait3A_279 = tpu.memref_slice %arg7[%dma_wait3A_277, %dma_wait3A_278] : memref<16416x128xf32, #tpu.memory_space<hbm>> -> memref<16x128xf32, #tpu.memory_space<hbm>>
          tpu.wait_dma2 semaphore(%arg17 : memref<!tpu.dma_semaphore, #tpu.memory_space<semaphore_mem>>) src(%dma_wait3A_279 : memref<16x128xf32, #tpu.memory_space<hbm>>) dst(%dma_wait3A_276 : memref<16x128xf32, #tpu.memory_space<vmem>>)
        } else {
        }
        %shift_right_arithmetic3A_160 = arith.constant 4 : i32
        %shift_right_arithmetic3A_161 = arith.shrsi %while3A_150, %shift_right_arithmetic3A_160 : i32
        %mul3A_162 = arith.constant 16 : i32
        %mul3A_163 = arith.muli %shift_right_arithmetic3A_161, %mul3A_162 : i32
        %get3A_164 = arith.index_cast %mul3A_163 : i32 to index
        %get3A_165 = tpu.vector_load %arg9[%get3A_164] {strides = array<i32>} : memref<768xi32, #tpu.memory_space<vmem>>, vector<16xi32>,
        %and3A_166 = arith.constant 15 : i32
        %and3A_167 = arith.andi %while3A_150, %and3A_166 : i32
        %broadcast_in_dim3A_168 = vector.broadcast %and3A_167 : i32 to vector<16x1xi32>
        %gather3A = vector.shape_cast %broadcast_in_dim3A_168 : vector<16x1xi32> to vector<16xi32>
        %gather3A_169 = tpu.dynamic_gather %get3A_165[%gather3A] in [0] : vector<16xi32>, vector<16xi32> -> vector<16xi32>
        %sub3A = vector.broadcast %add3A_71 : i32 to vector<16xi32>
        %sub3A_170 = arith.subi %gather3A_169, %sub3A : vector<16xi32>
        %add3A_171 = arith.constant 0 : i32
        %add3A_172 = vector.broadcast %add3A_171 : i32 to vector<16xi32>
        %add3A_173 = arith.addi %iota3A, %add3A_172 : vector<16xi32>
        %gather3A_174 = tpu.vector_load_idx %arg11[%add3A_173, %sub3A_170] : memref<64x512xf32, #tpu.memory_space<vmem>>[vector<16xi32>, vector<16xi32>], vector<16xf32>,
        %jit3A_175 = arith.constant 128 : i32
        %eq3A_176 = arith.constant 0 : i32
        %eq3A_177 = arith.cmpi eq, %jit3A_175, %eq3A_176 : i32
        %jit3A_178 = arith.constant 1 : i32
        %select_n3A_179 = arith.select %eq3A_177, %jit3A_178, %jit3A_175 : i32
        %rem3A = arith.remsi %while3A_150, %select_n3A_179 : i32
        %ne3A_180 = arith.constant 0 : i32
        %ne3A_181 = arith.cmpi ne, %rem3A, %ne3A_180 : i32
        %lt3A_182 = arith.constant 0 : i32
        %lt3A_183 = arith.cmpi slt, %rem3A, %lt3A_182 : i32
        %lt3A_184 = arith.constant 0 : i32
        %lt3A_185 = arith.cmpi slt, %select_n3A_179, %lt3A_184 : i32
        %ne3A_186 = arith.xori %lt3A_183, %lt3A_185 : i1
        %and3A_187 = arith.andi %ne3A_186, %ne3A_181 : i1
        %add3A_188 = arith.addi %rem3A, %select_n3A_179 : i32
        %select_n3A_189 = arith.select %and3A_187, %add3A_188, %rem3A : i32
        %swap3A = arith.index_cast %select_n3A_189 : i32 to index
        %swap3A_190 = arith.constant 0 : index
        %swap3A_191 = tpu.vector_load %arg14[%swap3A, %swap3A_190] {strides = array<i32>} : memref<128x128xf32, #tpu.memory_space<vmem>>, vector<16xf32>,
        tpu.vector_store %arg14[%swap3A, %swap3A_190], %gather3A_174 {strides = array<i32>} : memref<128x128xf32, #tpu.memory_space<vmem>>, vector<16xf32>,
        %add3A_192 = arith.constant 16 : i32
        %add3A_193 = vector.broadcast %add3A_192 : i32 to vector<16xi32>
        %add3A_194 = arith.addi %iota3A, %add3A_193 : vector<16xi32>
        %gather3A_195 = tpu.vector_load_idx %arg11[%add3A_194, %sub3A_170] : memref<64x512xf32, #tpu.memory_space<vmem>>[vector<16xi32>, vector<16xi32>], vector<16xf32>,
        %jit3A_196 = arith.constant 128 : i32
        %eq3A_197 = arith.constant 0 : i32
        %eq3A_198 = arith.cmpi eq, %jit3A_196, %eq3A_197 : i32
        %jit3A_199 = arith.constant 1 : i32
        %select_n3A_200 = arith.select %eq3A_198, %jit3A_199, %jit3A_196 : i32
        %rem3A_201 = arith.remsi %while3A_150, %select_n3A_200 : i32
        %ne3A_202 = arith.constant 0 : i32
        %ne3A_203 = arith.cmpi ne, %rem3A_201, %ne3A_202 : i32
        %lt3A_204 = arith.constant 0 : i32
        %lt3A_205 = arith.cmpi slt, %rem3A_201, %lt3A_204 : i32
        %lt3A_206 = arith.constant 0 : i32
        %lt3A_207 = arith.cmpi slt, %select_n3A_200, %lt3A_206 : i32
        %ne3A_208 = arith.xori %lt3A_205, %lt3A_207 : i1
        %and3A_209 = arith.andi %ne3A_208, %ne3A_203 : i1
        %add3A_210 = arith.addi %rem3A_201, %select_n3A_200 : i32
        %select_n3A_211 = arith.select %and3A_209, %add3A_210, %rem3A_201 : i32
        %swap3A_212 = arith.index_cast %select_n3A_211 : i32 to index
        %swap3A_213 = arith.constant 16 : index
        %swap3A_214 = tpu.vector_load %arg14[%swap3A_212, %swap3A_213] {strides = array<i32>} : memref<128x128xf32, #tpu.memory_space<vmem>>, vector<16xf32>,
        tpu.vector_store %arg14[%swap3A_212, %swap3A_213], %gather3A_195 {strides = array<i32>} : memref<128x128xf32, #tpu.memory_space<vmem>>, vector<16xf32>,
        %add3A_215 = arith.constant 32 : i32
        %add3A_216 = vector.broadcast %add3A_215 : i32 to vector<16xi32>
        %add3A_217 = arith.addi %iota3A, %add3A_216 : vector<16xi32>
        %gather3A_218 = tpu.vector_load_idx %arg11[%add3A_217, %sub3A_170] : memref<64x512xf32, #tpu.memory_space<vmem>>[vector<16xi32>, vector<16xi32>], vector<16xf32>,
        %jit3A_219 = arith.constant 128 : i32
        %eq3A_220 = arith.constant 0 : i32
        %eq3A_221 = arith.cmpi eq, %jit3A_219, %eq3A_220 : i32
        %jit3A_222 = arith.constant 1 : i32
        %select_n3A_223 = arith.select %eq3A_221, %jit3A_222, %jit3A_219 : i32
        %rem3A_224 = arith.remsi %while3A_150, %select_n3A_223 : i32
        %ne3A_225 = arith.constant 0 : i32
        %ne3A_226 = arith.cmpi ne, %rem3A_224, %ne3A_225 : i32
        %lt3A_227 = arith.constant 0 : i32
        %lt3A_228 = arith.cmpi slt, %rem3A_224, %lt3A_227 : i32
        %lt3A_229 = arith.constant 0 : i32
        %lt3A_230 = arith.cmpi slt, %select_n3A_223, %lt3A_229 : i32
        %ne3A_231 = arith.xori %lt3A_228, %lt3A_230 : i1
        %and3A_232 = arith.andi %ne3A_231, %ne3A_226 : i1
        %add3A_233 = arith.addi %rem3A_224, %select_n3A_223 : i32
        %select_n3A_234 = arith.select %and3A_232, %add3A_233, %rem3A_224 : i32
        %swap3A_235 = arith.index_cast %select_n3A_234 : i32 to index
        %swap3A_236 = arith.constant 32 : index
        %swap3A_237 = tpu.vector_load %arg14[%swap3A_235, %swap3A_236] {strides = array<i32>} : memref<128x128xf32, #tpu.memory_space<vmem>>, vector<16xf32>,
        tpu.vector_store %arg14[%swap3A_235, %swap3A_236], %gather3A_218 {strides = array<i32>} : memref<128x128xf32, #tpu.memory_space<vmem>>, vector<16xf32>,
        %add3A_238 = arith.constant 48 : i32
        %add3A_239 = vector.broadcast %add3A_238 : i32 to vector<16xi32>
        %add3A_240 = arith.addi %iota3A, %add3A_239 : vector<16xi32>
        %gather3A_241 = tpu.vector_load_idx %arg11[%add3A_240, %sub3A_170] : memref<64x512xf32, #tpu.memory_space<vmem>>[vector<16xi32>, vector<16xi32>], vector<16xf32>,
        %jit3A_242 = arith.constant 128 : i32
        %eq3A_243 = arith.constant 0 : i32
        %eq3A_244 = arith.cmpi eq, %jit3A_242, %eq3A_243 : i32
        %jit3A_245 = arith.constant 1 : i32
        %select_n3A_246 = arith.select %eq3A_244, %jit3A_245, %jit3A_242 : i32
        %rem3A_247 = arith.remsi %while3A_150, %select_n3A_246 : i32
        %ne3A_248 = arith.constant 0 : i32
        %ne3A_249 = arith.cmpi ne, %rem3A_247, %ne3A_248 : i32
        %lt3A_250 = arith.constant 0 : i32
        %lt3A_251 = arith.cmpi slt, %rem3A_247, %lt3A_250 : i32
        %lt3A_252 = arith.constant 0 : i32
        %lt3A_253 = arith.cmpi slt, %select_n3A_246, %lt3A_252 : i32
        %ne3A_254 = arith.xori %lt3A_251, %lt3A_253 : i1
        %and3A_255 = arith.andi %ne3A_254, %ne3A_249 : i1
        %add3A_256 = arith.addi %rem3A_247, %select_n3A_246 : i32
        %select_n3A_257 = arith.select %and3A_255, %add3A_256, %rem3A_247 : i32
        %swap3A_258 = arith.index_cast %select_n3A_257 : i32 to index
        %swap3A_259 = arith.constant 48 : index
        %swap3A_260 = tpu.vector_load %arg14[%swap3A_258, %swap3A_259] {strides = array<i32>} : memref<128x128xf32, #tpu.memory_space<vmem>>, vector<16xf32>,
        tpu.vector_store %arg14[%swap3A_258, %swap3A_259], %gather3A_241 {strides = array<i32>} : memref<128x128xf32, #tpu.memory_space<vmem>>, vector<16xf32>,
        %and3A_261 = arith.constant 15 : i32
        %and3A_262 = arith.andi %while3A_150, %and3A_261 : i32
        %eq3A_263 = arith.constant 15 : i32
        %eq3A_264 = arith.cmpi eq, %and3A_262, %eq3A_263 : i32
        %convert_element_type3A_265 = arith.extui %eq3A_264 : i1 to i32
        %cond3A_266 = arith.constant 0 : i32
        %cond3A_267 = arith.cmpi ne, %convert_element_type3A_265, %cond3A_266 : i32
        scf.if %cond3A_267 {
          %shift_right_arithmetic3A_268 = arith.constant 4 : i32
          %shift_right_arithmetic3A_269 = arith.shrsi %while3A_150, %shift_right_arithmetic3A_268 : i32
          %mul3A_270 = arith.constant 16 : i32
          %mul3A_271 = arith.muli %shift_right_arithmetic3A_269, %mul3A_270 : i32
          %get3A_272 = arith.index_cast %mul3A_271 : i32 to index
          %get3A_273 = tpu.vector_load %arg8[%get3A_272] {strides = array<i32>} : memref<768xi32, #tpu.memory_space<vmem>>, vector<16xi32>,
          %jit3A_274 = arith.constant 8 : i32
          %eq3A_275 = arith.constant 0 : i32
          %eq3A_276 = arith.cmpi eq, %jit3A_274, %eq3A_275 : i32
          %jit3A_277 = arith.constant 1 : i32
          %select_n3A_278 = arith.select %eq3A_276, %jit3A_277, %jit3A_274 : i32
          %rem3A_279 = arith.remsi %shift_right_arithmetic3A_269, %select_n3A_278 : i32
          %ne3A_280 = arith.constant 0 : i32
          %ne3A_281 = arith.cmpi ne, %rem3A_279, %ne3A_280 : i32
          %lt3A_282 = arith.constant 0 : i32
          %lt3A_283 = arith.cmpi slt, %rem3A_279, %lt3A_282 : i32
          %lt3A_284 = arith.constant 0 : i32
          %lt3A_285 = arith.cmpi slt, %select_n3A_278, %lt3A_284 : i32
          %ne3A_286 = arith.xori %lt3A_283, %lt3A_285 : i1
          %and3A_287 = arith.andi %ne3A_286, %ne3A_281 : i1
          %add3A_288 = arith.addi %rem3A_279, %select_n3A_278 : i32
          %select_n3A_289 = arith.select %and3A_287, %add3A_288, %rem3A_279 : i32
          %mul3A_290 = arith.constant 16 : i32
          %mul3A_291 = arith.muli %select_n3A_289, %mul3A_290 : i32
          %dma_start3A_292 = arith.constant 0 : i32
          %dma_start3A_293 = tpu.memref_slice %arg14[%mul3A_291, %dma_start3A_292] : memref<128x128xf32, #tpu.memory_space<vmem>> -> memref<16x128xf32, #tpu.memory_space<vmem>>
          %dma_start3A_294 = arith.constant 0 : i32
          %dma_start3A_295 = arith.constant 0 : i32
          %dma_start3A_296 = tpu.memref_slice %arg7[%dma_start3A_294, %dma_start3A_295] : memref<16416x128xf32, #tpu.memory_space<hbm>> -> memref<16416x128xf32, #tpu.memory_space<hbm>>
          tpu.enqueue_indirect_dma source(%dma_start3A_293 : memref<16x128xf32, #tpu.memory_space<vmem>>) target(%dma_start3A_296 : memref<16416x128xf32, #tpu.memory_space<hbm>>) offsets(%get3A_273 : vector<16xi32>) semaphore(%arg17 : memref<!tpu.dma_semaphore, #tpu.memory_space<semaphore_mem>>)
        } else {
        }
      }
      %while3A_101 = arith.constant 1 : i32
      scf.for %while3A_150 = %while3A_99 to %while3A_95 step %while3A_101  : i32 {
        %and3A_151 = arith.constant 15 : i32
        %and3A_152 = arith.andi %while3A_150, %and3A_151 : i32
        %eq3A_153 = arith.constant 0 : i32
        %eq3A_154 = arith.cmpi eq, %and3A_152, %eq3A_153 : i32
        %ge3A = arith.constant 128 : i32
        %ge3A_155 = arith.cmpi sge, %while3A_150, %ge3A : i32
        %and3A_156 = arith.andi %eq3A_154, %ge3A_155 : i1
        %convert_element_type3A_157 = arith.extui %and3A_156 : i1 to i32
        %cond3A_158 = arith.constant 0 : i32
        %cond3A_159 = arith.cmpi ne, %convert_element_type3A_157, %cond3A_158 : i32
        scf.if %cond3A_159 {
          %dma_wait3A_268 = arith.constant 0 : i32
          %dma_wait3A_269 = arith.constant 0 : i32
          %dma_wait3A_270 = tpu.memref_slice %arg14[%dma_wait3A_268, %dma_wait3A_269] : memref<128x128xf32, #tpu.memory_space<vmem>> -> memref<16x128xf32, #tpu.memory_space<vmem>>
          %dma_wait3A_271 = arith.constant 0 : i32
          %dma_wait3A_272 = arith.constant 0 : i32
          %dma_wait3A_273 = tpu.memref_slice %arg7[%dma_wait3A_271, %dma_wait3A_272] : memref<16416x128xf32, #tpu.memory_space<hbm>> -> memref<16x128xf32, #tpu.memory_space<hbm>>
          %dma_wait3A_274 = arith.constant 0 : i32
          %dma_wait3A_275 = arith.constant 0 : i32
          %dma_wait3A_276 = tpu.memref_slice %arg14[%dma_wait3A_274, %dma_wait3A_275] : memref<128x128xf32, #tpu.memory_space<vmem>> -> memref<16x128xf32, #tpu.memory_space<vmem>>
          %dma_wait3A_277 = arith.constant 0 : i32
          %dma_wait3A_278 = arith.constant 0 : i32
          %dma_wait3A_279 = tpu.memref_slice %arg7[%dma_wait3A_277, %dma_wait3A_278] : memref<16416x128xf32, #tpu.memory_space<hbm>> -> memref<16x128xf32, #tpu.memory_space<hbm>>
          tpu.wait_dma2 semaphore(%arg17 : memref<!tpu.dma_semaphore, #tpu.memory_space<semaphore_mem>>) src(%dma_wait3A_279 : memref<16x128xf32, #tpu.memory_space<hbm>>) dst(%dma_wait3A_276 : memref<16x128xf32, #tpu.memory_space<vmem>>)
        } else {
        }
        %shift_right_arithmetic3A_160 = arith.constant 4 : i32
        %shift_right_arithmetic3A_161 = arith.shrsi %while3A_150, %shift_right_arithmetic3A_160 : i32
        %mul3A_162 = arith.constant 16 : i32
        %mul3A_163 = arith.muli %shift_right_arithmetic3A_161, %mul3A_162 : i32
        %get3A_164 = arith.index_cast %mul3A_163 : i32 to index
        %get3A_165 = tpu.vector_load %arg9[%get3A_164] {strides = array<i32>} : memref<768xi32, #tpu.memory_space<vmem>>, vector<16xi32>,
        %and3A_166 = arith.constant 15 : i32
        %and3A_167 = arith.andi %while3A_150, %and3A_166 : i32
        %broadcast_in_dim3A_168 = vector.broadcast %and3A_167 : i32 to vector<16x1xi32>
        %gather3A = vector.shape_cast %broadcast_in_dim3A_168 : vector<16x1xi32> to vector<16xi32>
        %gather3A_169 = tpu.dynamic_gather %get3A_165[%gather3A] in [0] : vector<16xi32>, vector<16xi32> -> vector<16xi32>
        %sub3A = vector.broadcast %add3A_71 : i32 to vector<16xi32>
        %sub3A_170 = arith.subi %gather3A_169, %sub3A : vector<16xi32>
        %add3A_171 = arith.constant 0 : i32
        %add3A_172 = vector.broadcast %add3A_171 : i32 to vector<16xi32>
        %add3A_173 = arith.addi %iota3A, %add3A_172 : vector<16xi32>
        %gather3A_174 = tpu.vector_load_idx %arg11[%add3A_173, %sub3A_170] : memref<64x512xf32, #tpu.memory_space<vmem>>[vector<16xi32>, vector<16xi32>], vector<16xf32>,
        %jit3A_175 = arith.constant 128 : i32
        %eq3A_176 = arith.constant 0 : i32
        %eq3A_177 = arith.cmpi eq, %jit3A_175, %eq3A_176 : i32
        %jit3A_178 = arith.constant 1 : i32
        %select_n3A_179 = arith.select %eq3A_177, %jit3A_178, %jit3A_175 : i32
        %rem3A = arith.remsi %while3A_150, %select_n3A_179 : i32
        %ne3A_180 = arith.constant 0 : i32
        %ne3A_181 = arith.cmpi ne, %rem3A, %ne3A_180 : i32
        %lt3A_182 = arith.constant 0 : i32
        %lt3A_183 = arith.cmpi slt, %rem3A, %lt3A_182 : i32
        %lt3A_184 = arith.constant 0 : i32
        %lt3A_185 = arith.cmpi slt, %select_n3A_179, %lt3A_184 : i32
        %ne3A_186 = arith.xori %lt3A_183, %lt3A_185 : i1
        %and3A_187 = arith.andi %ne3A_186, %ne3A_181 : i1
        %add3A_188 = arith.addi %rem3A, %select_n3A_179 : i32
        %select_n3A_189 = arith.select %and3A_187, %add3A_188, %rem3A : i32
        %swap3A = arith.index_cast %select_n3A_189 : i32 to index
        %swap3A_190 = arith.constant 0 : index
        %swap3A_191 = tpu.vector_load %arg14[%swap3A, %swap3A_190] {strides = array<i32>} : memref<128x128xf32, #tpu.memory_space<vmem>>, vector<16xf32>,
        tpu.vector_store %arg14[%swap3A, %swap3A_190], %gather3A_174 {strides = array<i32>} : memref<128x128xf32, #tpu.memory_space<vmem>>, vector<16xf32>,
        %add3A_192 = arith.constant 16 : i32
        %add3A_193 = vector.broadcast %add3A_192 : i32 to vector<16xi32>
        %add3A_194 = arith.addi %iota3A, %add3A_193 : vector<16xi32>
        %gather3A_195 = tpu.vector_load_idx %arg11[%add3A_194, %sub3A_170] : memref<64x512xf32, #tpu.memory_space<vmem>>[vector<16xi32>, vector<16xi32>], vector<16xf32>,
        %jit3A_196 = arith.constant 128 : i32
        %eq3A_197 = arith.constant 0 : i32
        %eq3A_198 = arith.cmpi eq, %jit3A_196, %eq3A_197 : i32
        %jit3A_199 = arith.constant 1 : i32
        %select_n3A_200 = arith.select %eq3A_198, %jit3A_199, %jit3A_196 : i32
        %rem3A_201 = arith.remsi %while3A_150, %select_n3A_200 : i32
        %ne3A_202 = arith.constant 0 : i32
        %ne3A_203 = arith.cmpi ne, %rem3A_201, %ne3A_202 : i32
        %lt3A_204 = arith.constant 0 : i32
        %lt3A_205 = arith.cmpi slt, %rem3A_201, %lt3A_204 : i32
        %lt3A_206 = arith.constant 0 : i32
        %lt3A_207 = arith.cmpi slt, %select_n3A_200, %lt3A_206 : i32
        %ne3A_208 = arith.xori %lt3A_205, %lt3A_207 : i1
        %and3A_209 = arith.andi %ne3A_208, %ne3A_203 : i1
        %add3A_210 = arith.addi %rem3A_201, %select_n3A_200 : i32
        %select_n3A_211 = arith.select %and3A_209, %add3A_210, %rem3A_201 : i32
        %swap3A_212 = arith.index_cast %select_n3A_211 : i32 to index
        %swap3A_213 = arith.constant 16 : index
        %swap3A_214 = tpu.vector_load %arg14[%swap3A_212, %swap3A_213] {strides = array<i32>} : memref<128x128xf32, #tpu.memory_space<vmem>>, vector<16xf32>,
        tpu.vector_store %arg14[%swap3A_212, %swap3A_213], %gather3A_195 {strides = array<i32>} : memref<128x128xf32, #tpu.memory_space<vmem>>, vector<16xf32>,
        %add3A_215 = arith.constant 32 : i32
        %add3A_216 = vector.broadcast %add3A_215 : i32 to vector<16xi32>
        %add3A_217 = arith.addi %iota3A, %add3A_216 : vector<16xi32>
        %gather3A_218 = tpu.vector_load_idx %arg11[%add3A_217, %sub3A_170] : memref<64x512xf32, #tpu.memory_space<vmem>>[vector<16xi32>, vector<16xi32>], vector<16xf32>,
        %jit3A_219 = arith.constant 128 : i32
        %eq3A_220 = arith.constant 0 : i32
        %eq3A_221 = arith.cmpi eq, %jit3A_219, %eq3A_220 : i32
        %jit3A_222 = arith.constant 1 : i32
        %select_n3A_223 = arith.select %eq3A_221, %jit3A_222, %jit3A_219 : i32
        %rem3A_224 = arith.remsi %while3A_150, %select_n3A_223 : i32
        %ne3A_225 = arith.constant 0 : i32
        %ne3A_226 = arith.cmpi ne, %rem3A_224, %ne3A_225 : i32
        %lt3A_227 = arith.constant 0 : i32
        %lt3A_228 = arith.cmpi slt, %rem3A_224, %lt3A_227 : i32
        %lt3A_229 = arith.constant 0 : i32
        %lt3A_230 = arith.cmpi slt, %select_n3A_223, %lt3A_229 : i32
        %ne3A_231 = arith.xori %lt3A_228, %lt3A_230 : i1
        %and3A_232 = arith.andi %ne3A_231, %ne3A_226 : i1
        %add3A_233 = arith.addi %rem3A_224, %select_n3A_223 : i32
        %select_n3A_234 = arith.select %and3A_232, %add3A_233, %rem3A_224 : i32
        %swap3A_235 = arith.index_cast %select_n3A_234 : i32 to index
        %swap3A_236 = arith.constant 32 : index
        %swap3A_237 = tpu.vector_load %arg14[%swap3A_235, %swap3A_236] {strides = array<i32>} : memref<128x128xf32, #tpu.memory_space<vmem>>, vector<16xf32>,
        tpu.vector_store %arg14[%swap3A_235, %swap3A_236], %gather3A_218 {strides = array<i32>} : memref<128x128xf32, #tpu.memory_space<vmem>>, vector<16xf32>,
        %add3A_238 = arith.constant 48 : i32
        %add3A_239 = vector.broadcast %add3A_238 : i32 to vector<16xi32>
        %add3A_240 = arith.addi %iota3A, %add3A_239 : vector<16xi32>
        %gather3A_241 = tpu.vector_load_idx %arg11[%add3A_240, %sub3A_170] : memref<64x512xf32, #tpu.memory_space<vmem>>[vector<16xi32>, vector<16xi32>], vector<16xf32>,
        %jit3A_242 = arith.constant 128 : i32
        %eq3A_243 = arith.constant 0 : i32
        %eq3A_244 = arith.cmpi eq, %jit3A_242, %eq3A_243 : i32
        %jit3A_245 = arith.constant 1 : i32
        %select_n3A_246 = arith.select %eq3A_244, %jit3A_245, %jit3A_242 : i32
        %rem3A_247 = arith.remsi %while3A_150, %select_n3A_246 : i32
        %ne3A_248 = arith.constant 0 : i32
        %ne3A_249 = arith.cmpi ne, %rem3A_247, %ne3A_248 : i32
        %lt3A_250 = arith.constant 0 : i32
        %lt3A_251 = arith.cmpi slt, %rem3A_247, %lt3A_250 : i32
        %lt3A_252 = arith.constant 0 : i32
        %lt3A_253 = arith.cmpi slt, %select_n3A_246, %lt3A_252 : i32
        %ne3A_254 = arith.xori %lt3A_251, %lt3A_253 : i1
        %and3A_255 = arith.andi %ne3A_254, %ne3A_249 : i1
        %add3A_256 = arith.addi %rem3A_247, %select_n3A_246 : i32
        %select_n3A_257 = arith.select %and3A_255, %add3A_256, %rem3A_247 : i32
        %swap3A_258 = arith.index_cast %select_n3A_257 : i32 to index
        %swap3A_259 = arith.constant 48 : index
        %swap3A_260 = tpu.vector_load %arg14[%swap3A_258, %swap3A_259] {strides = array<i32>} : memref<128x128xf32, #tpu.memory_space<vmem>>, vector<16xf32>,
        tpu.vector_store %arg14[%swap3A_258, %swap3A_259], %gather3A_241 {strides = array<i32>} : memref<128x128xf32, #tpu.memory_space<vmem>>, vector<16xf32>,
        %and3A_261 = arith.constant 15 : i32
        %and3A_262 = arith.andi %while3A_150, %and3A_261 : i32
        %eq3A_263 = arith.constant 15 : i32
        %eq3A_264 = arith.cmpi eq, %and3A_262, %eq3A_263 : i32
        %convert_element_type3A_265 = arith.extui %eq3A_264 : i1 to i32
        %cond3A_266 = arith.constant 0 : i32
        %cond3A_267 = arith.cmpi ne, %convert_element_type3A_265, %cond3A_266 : i32
        scf.if %cond3A_267 {
          %shift_right_arithmetic3A_268 = arith.constant 4 : i32
          %shift_right_arithmetic3A_269 = arith.shrsi %while3A_150, %shift_right_arithmetic3A_268 : i32
          %mul3A_270 = arith.constant 16 : i32
          %mul3A_271 = arith.muli %shift_right_arithmetic3A_269, %mul3A_270 : i32
          %get3A_272 = arith.index_cast %mul3A_271 : i32 to index
          %get3A_273 = tpu.vector_load %arg8[%get3A_272] {strides = array<i32>} : memref<768xi32, #tpu.memory_space<vmem>>, vector<16xi32>,
          %jit3A_274 = arith.constant 8 : i32
          %eq3A_275 = arith.constant 0 : i32
          %eq3A_276 = arith.cmpi eq, %jit3A_274, %eq3A_275 : i32
          %jit3A_277 = arith.constant 1 : i32
          %select_n3A_278 = arith.select %eq3A_276, %jit3A_277, %jit3A_274 : i32
          %rem3A_279 = arith.remsi %shift_right_arithmetic3A_269, %select_n3A_278 : i32
          %ne3A_280 = arith.constant 0 : i32
          %ne3A_281 = arith.cmpi ne, %rem3A_279, %ne3A_280 : i32
          %lt3A_282 = arith.constant 0 : i32
          %lt3A_283 = arith.cmpi slt, %rem3A_279, %lt3A_282 : i32
          %lt3A_284 = arith.constant 0 : i32
          %lt3A_285 = arith.cmpi slt, %select_n3A_278, %lt3A_284 : i32
          %ne3A_286 = arith.xori %lt3A_283, %lt3A_285 : i1
          %and3A_287 = arith.andi %ne3A_286, %ne3A_281 : i1
          %add3A_288 = arith.addi %rem3A_279, %select_n3A_278 : i32
          %select_n3A_289 = arith.select %and3A_287, %add3A_288, %rem3A_279 : i32
          %mul3A_290 = arith.constant 16 : i32
          %mul3A_291 = arith.muli %select_n3A_289, %mul3A_290 : i32
          %dma_start3A_292 = arith.constant 0 : i32
          %dma_start3A_293 = tpu.memref_slice %arg14[%mul3A_291, %dma_start3A_292] : memref<128x128xf32, #tpu.memory_space<vmem>> -> memref<16x128xf32, #tpu.memory_space<vmem>>
          %dma_start3A_294 = arith.constant 0 : i32
          %dma_start3A_295 = arith.constant 0 : i32
          %dma_start3A_296 = tpu.memref_slice %arg7[%dma_start3A_294, %dma_start3A_295] : memref<16416x128xf32, #tpu.memory_space<hbm>> -> memref<16416x128xf32, #tpu.memory_space<hbm>>
          tpu.enqueue_indirect_dma source(%dma_start3A_293 : memref<16x128xf32, #tpu.memory_space<vmem>>) target(%dma_start3A_296 : memref<16416x128xf32, #tpu.memory_space<hbm>>) offsets(%get3A_273 : vector<16xi32>) semaphore(%arg17 : memref<!tpu.dma_semaphore, #tpu.memory_space<semaphore_mem>>)
        } else {
        }
      }
      %lt3A = arith.constant 30 : i32
      %lt3A_102 = arith.cmpi slt, %scan3A_50, %lt3A : i32
      %convert_element_type3A_103 = arith.extui %lt3A_102 : i1 to i32
      %cond3A_104 = arith.constant 0 : i32
      %cond3A_105 = arith.cmpi ne, %convert_element_type3A_103, %cond3A_104 : i32
      scf.if %cond3A_105 {
        %add3A_150 = arith.constant 2 : i32
        %add3A_151 = arith.addi %mul3A_53, %add3A_150 : i32
        %mul3A_152 = arith.constant 512 : i32
        %mul3A_153 = arith.muli %add3A_151, %mul3A_152 : i32
        %add3A_154 = arith.addi %mul3A_2, %mul3A_153 : i32
        %dma_start3A_155 = arith.constant 0 : i32
        %dma_start3A_156 = tpu.memref_slice %arg5[%dma_start3A_155, %add3A_154] : memref<64x1000000xf32, #tpu.memory_space<hbm>> -> memref<64x512xf32, #tpu.memory_space<hbm>>
        %dma_start3A_157 = arith.constant 0 : i32
        %dma_start3A_158 = tpu.memref_slice %arg5[%dma_start3A_157, %add3A_154] : memref<64x1000000xf32, #tpu.memory_space<hbm>> -> memref<64x512xf32, #tpu.memory_space<hbm>>
        tpu.enqueue_dma source(%dma_start3A_158 : memref<64x512xf32, #tpu.memory_space<hbm>>) target(%arg11 : memref<64x512xf32, #tpu.memory_space<vmem>>) target_semaphore(%arg15 : memref<!tpu.dma_semaphore, #tpu.memory_space<semaphore_mem>>)
      } else {
      }
      %add3A_106 = arith.constant 1 : i32
      %add3A_107 = arith.addi %mul3A_53, %add3A_106 : i32
      %mul3A_108 = arith.constant 512 : i32
      %mul3A_109 = arith.muli %add3A_107, %mul3A_108 : i32
      %add3A_110 = arith.addi %mul3A_2, %mul3A_109 : i32
      %dma_wait3A_111 = arith.constant 0 : i32
      %dma_wait3A_112 = tpu.memref_slice %arg5[%dma_wait3A_111, %add3A_110] : memref<64x1000000xf32, #tpu.memory_space<hbm>> -> memref<64x512xf32, #tpu.memory_space<hbm>>
      %dma_wait3A_113 = arith.constant 0 : i32
      %dma_wait3A_114 = tpu.memref_slice %arg5[%dma_wait3A_113, %add3A_110] : memref<64x1000000xf32, #tpu.memory_space<hbm>> -> memref<64x512xf32, #tpu.memory_space<hbm>>
      tpu.wait_dma2 semaphore(%arg16 : memref<!tpu.dma_semaphore, #tpu.memory_space<semaphore_mem>>) src(%dma_wait3A_114 : memref<64x512xf32, #tpu.memory_space<hbm>>) dst(%arg12 : memref<64x512xf32, #tpu.memory_space<vmem>>)
      %add3A_115 = arith.constant 1 : i32
      %add3A_116 = arith.addi %mul3A_53, %add3A_115 : i32
      %mul3A_117 = arith.constant 512 : i32
      %mul3A_118 = arith.muli %add3A_116, %mul3A_117 : i32
      %add3A_119 = arith.addi %mul3A_2, %mul3A_118 : i32
      %shift_right_arithmetic3A_120 = arith.constant 4 : i32
      %shift_right_arithmetic3A_121 = arith.shrsi %add3A_116, %shift_right_arithmetic3A_120 : i32
      %mul3A_122 = arith.constant 16 : i32
      %mul3A_123 = arith.muli %shift_right_arithmetic3A_121, %mul3A_122 : i32
      %get3A_124 = arith.index_cast %mul3A_123 : i32 to index
      %get3A_125 = tpu.vector_load %arg10[%get3A_124] {strides = array<i32>} : memref<64xi32, #tpu.memory_space<vmem>>, vector<16xi32>,
      %and3A_126 = arith.constant 15 : i32
      %and3A_127 = arith.andi %add3A_116, %and3A_126 : i32
      %eq3A_128 = vector.broadcast %and3A_127 : i32 to vector<16xi32>
      %eq3A_129 = arith.cmpi eq, %iota3A, %eq3A_128 : vector<16xi32>
      %jit3A_130 = arith.constant 0 : i32
      %broadcast_in_dim3A_131 = vector.broadcast %jit3A_130 : i32 to vector<16xi32>
      %select_n3A_132 = arith.select %eq3A_129, %get3A_125, %broadcast_in_dim3A_131 : vector<16xi1>, vector<16xi32>
      %reduce_max3A_133 = arith.constant true
      %reduce_max3A_134 = vector.broadcast %reduce_max3A_133 : i1 to vector<16xi1>
      %reduce_max3A_135 = arith.constant -2147483648 : i32
      %reduce_max3A_136 = vector.broadcast %reduce_max3A_135 : i32 to vector<16xi32>
      %reduce_max3A_137 = arith.xori %select_n3A_132, %reduce_max3A_136 : vector<16xi32>
      %reduce_max3A_138 = tpu.scan <max>, %reduce_max3A_137 masked %reduce_max3A_134 : vector<16xi32>, vector<16xi1> -> vector<16xi32>
      %reduce_max3A_139 = arith.xori %reduce_max3A_138, %reduce_max3A_136 : vector<16xi32>
      %reduce_max3A_140 = vector.extract %reduce_max3A_139[15] : i32 from vector<16xi32>
      %while3A_141 = arith.constant 0 : i32
      %while3A_142 = arith.subi %reduce_max3A_140, %reduce_max3A_92 : i32
      %while3A_143 = arith.addi %reduce_max3A_92, %while3A_142 : i32
      %while3A_144 = arith.constant 1 : i32
      %while3A_145 = arith.divsi %while3A_142, %while3A_144 : i32
      %while3A_146 = arith.muli %while3A_145, %while3A_144 : i32
      %while3A_147 = arith.addi %reduce_max3A_92, %while3A_146 : i32
      %while3A_148 = arith.constant 1 : i32
      scf.for %while3A_150 = %reduce_max3A_92 to %while3A_147 step %while3A_148  : i32 {
        %and3A_151 = arith.constant 15 : i32
        %and3A_152 = arith.andi %while3A_150, %and3A_151 : i32
        %eq3A_153 = arith.constant 0 : i32
        %eq3A_154 = arith.cmpi eq, %and3A_152, %eq3A_153 : i32
        %ge3A = arith.constant 128 : i32
        %ge3A_155 = arith.cmpi sge, %while3A_150, %ge3A : i32
        %and3A_156 = arith.andi %eq3A_154, %ge3A_155 : i1
        %convert_element_type3A_157 = arith.extui %and3A_156 : i1 to i32
        %cond3A_158 = arith.constant 0 : i32
        %cond3A_159 = arith.cmpi ne, %convert_element_type3A_157, %cond3A_158 : i32
        scf.if %cond3A_159 {
          %dma_wait3A_268 = arith.constant 0 : i32
          %dma_wait3A_269 = arith.constant 0 : i32
          %dma_wait3A_270 = tpu.memref_slice %arg14[%dma_wait3A_268, %dma_wait3A_269] : memref<128x128xf32, #tpu.memory_space<vmem>> -> memref<16x128xf32, #tpu.memory_space<vmem>>
          %dma_wait3A_271 = arith.constant 0 : i32
          %dma_wait3A_272 = arith.constant 0 : i32
          %dma_wait3A_273 = tpu.memref_slice %arg7[%dma_wait3A_271, %dma_wait3A_272] : memref<16416x128xf32, #tpu.memory_space<hbm>> -> memref<16x128xf32, #tpu.memory_space<hbm>>
          %dma_wait3A_274 = arith.constant 0 : i32
          %dma_wait3A_275 = arith.constant 0 : i32
          %dma_wait3A_276 = tpu.memref_slice %arg14[%dma_wait3A_274, %dma_wait3A_275] : memref<128x128xf32, #tpu.memory_space<vmem>> -> memref<16x128xf32, #tpu.memory_space<vmem>>
          %dma_wait3A_277 = arith.constant 0 : i32
          %dma_wait3A_278 = arith.constant 0 : i32
          %dma_wait3A_279 = tpu.memref_slice %arg7[%dma_wait3A_277, %dma_wait3A_278] : memref<16416x128xf32, #tpu.memory_space<hbm>> -> memref<16x128xf32, #tpu.memory_space<hbm>>
          tpu.wait_dma2 semaphore(%arg17 : memref<!tpu.dma_semaphore, #tpu.memory_space<semaphore_mem>>) src(%dma_wait3A_279 : memref<16x128xf32, #tpu.memory_space<hbm>>) dst(%dma_wait3A_276 : memref<16x128xf32, #tpu.memory_space<vmem>>)
        } else {
        }
        %shift_right_arithmetic3A_160 = arith.constant 4 : i32
        %shift_right_arithmetic3A_161 = arith.shrsi %while3A_150, %shift_right_arithmetic3A_160 : i32
        %mul3A_162 = arith.constant 16 : i32
        %mul3A_163 = arith.muli %shift_right_arithmetic3A_161, %mul3A_162 : i32
        %get3A_164 = arith.index_cast %mul3A_163 : i32 to index
        %get3A_165 = tpu.vector_load %arg9[%get3A_164] {strides = array<i32>} : memref<768xi32, #tpu.memory_space<vmem>>, vector<16xi32>,
        %and3A_166 = arith.constant 15 : i32
        %and3A_167 = arith.andi %while3A_150, %and3A_166 : i32
        %broadcast_in_dim3A_168 = vector.broadcast %and3A_167 : i32 to vector<16x1xi32>
        %gather3A = vector.shape_cast %broadcast_in_dim3A_168 : vector<16x1xi32> to vector<16xi32>
        %gather3A_169 = tpu.dynamic_gather %get3A_165[%gather3A] in [0] : vector<16xi32>, vector<16xi32> -> vector<16xi32>
        %sub3A = vector.broadcast %add3A_119 : i32 to vector<16xi32>
        %sub3A_170 = arith.subi %gather3A_169, %sub3A : vector<16xi32>
        %add3A_171 = arith.constant 0 : i32
        %add3A_172 = vector.broadcast %add3A_171 : i32 to vector<16xi32>
        %add3A_173 = arith.addi %iota3A, %add3A_172 : vector<16xi32>
        %gather3A_174 = tpu.vector_load_idx %arg12[%add3A_173, %sub3A_170] : memref<64x512xf32, #tpu.memory_space<vmem>>[vector<16xi32>, vector<16xi32>], vector<16xf32>,
        %jit3A_175 = arith.constant 128 : i32
        %eq3A_176 = arith.constant 0 : i32
        %eq3A_177 = arith.cmpi eq, %jit3A_175, %eq3A_176 : i32
        %jit3A_178 = arith.constant 1 : i32
        %select_n3A_179 = arith.select %eq3A_177, %jit3A_178, %jit3A_175 : i32
        %rem3A = arith.remsi %while3A_150, %select_n3A_179 : i32
        %ne3A_180 = arith.constant 0 : i32
        %ne3A_181 = arith.cmpi ne, %rem3A, %ne3A_180 : i32
        %lt3A_182 = arith.constant 0 : i32
        %lt3A_183 = arith.cmpi slt, %rem3A, %lt3A_182 : i32
        %lt3A_184 = arith.constant 0 : i32
        %lt3A_185 = arith.cmpi slt, %select_n3A_179, %lt3A_184 : i32
        %ne3A_186 = arith.xori %lt3A_183, %lt3A_185 : i1
        %and3A_187 = arith.andi %ne3A_186, %ne3A_181 : i1
        %add3A_188 = arith.addi %rem3A, %select_n3A_179 : i32
        %select_n3A_189 = arith.select %and3A_187, %add3A_188, %rem3A : i32
        %swap3A = arith.index_cast %select_n3A_189 : i32 to index
        %swap3A_190 = arith.constant 0 : index
        %swap3A_191 = tpu.vector_load %arg14[%swap3A, %swap3A_190] {strides = array<i32>} : memref<128x128xf32, #tpu.memory_space<vmem>>, vector<16xf32>,
        tpu.vector_store %arg14[%swap3A, %swap3A_190], %gather3A_174 {strides = array<i32>} : memref<128x128xf32, #tpu.memory_space<vmem>>, vector<16xf32>,
        %add3A_192 = arith.constant 16 : i32
        %add3A_193 = vector.broadcast %add3A_192 : i32 to vector<16xi32>
        %add3A_194 = arith.addi %iota3A, %add3A_193 : vector<16xi32>
        %gather3A_195 = tpu.vector_load_idx %arg12[%add3A_194, %sub3A_170] : memref<64x512xf32, #tpu.memory_space<vmem>>[vector<16xi32>, vector<16xi32>], vector<16xf32>,
        %jit3A_196 = arith.constant 128 : i32
        %eq3A_197 = arith.constant 0 : i32
        %eq3A_198 = arith.cmpi eq, %jit3A_196, %eq3A_197 : i32
        %jit3A_199 = arith.constant 1 : i32
        %select_n3A_200 = arith.select %eq3A_198, %jit3A_199, %jit3A_196 : i32
        %rem3A_201 = arith.remsi %while3A_150, %select_n3A_200 : i32
        %ne3A_202 = arith.constant 0 : i32
        %ne3A_203 = arith.cmpi ne, %rem3A_201, %ne3A_202 : i32
        %lt3A_204 = arith.constant 0 : i32
        %lt3A_205 = arith.cmpi slt, %rem3A_201, %lt3A_204 : i32
        %lt3A_206 = arith.constant 0 : i32
        %lt3A_207 = arith.cmpi slt, %select_n3A_200, %lt3A_206 : i32
        %ne3A_208 = arith.xori %lt3A_205, %lt3A_207 : i1
        %and3A_209 = arith.andi %ne3A_208, %ne3A_203 : i1
        %add3A_210 = arith.addi %rem3A_201, %select_n3A_200 : i32
        %select_n3A_211 = arith.select %and3A_209, %add3A_210, %rem3A_201 : i32
        %swap3A_212 = arith.index_cast %select_n3A_211 : i32 to index
        %swap3A_213 = arith.constant 16 : index
        %swap3A_214 = tpu.vector_load %arg14[%swap3A_212, %swap3A_213] {strides = array<i32>} : memref<128x128xf32, #tpu.memory_space<vmem>>, vector<16xf32>,
        tpu.vector_store %arg14[%swap3A_212, %swap3A_213], %gather3A_195 {strides = array<i32>} : memref<128x128xf32, #tpu.memory_space<vmem>>, vector<16xf32>,
        %add3A_215 = arith.constant 32 : i32
        %add3A_216 = vector.broadcast %add3A_215 : i32 to vector<16xi32>
        %add3A_217 = arith.addi %iota3A, %add3A_216 : vector<16xi32>
        %gather3A_218 = tpu.vector_load_idx %arg12[%add3A_217, %sub3A_170] : memref<64x512xf32, #tpu.memory_space<vmem>>[vector<16xi32>, vector<16xi32>], vector<16xf32>,
        %jit3A_219 = arith.constant 128 : i32
        %eq3A_220 = arith.constant 0 : i32
        %eq3A_221 = arith.cmpi eq, %jit3A_219, %eq3A_220 : i32
        %jit3A_222 = arith.constant 1 : i32
        %select_n3A_223 = arith.select %eq3A_221, %jit3A_222, %jit3A_219 : i32
        %rem3A_224 = arith.remsi %while3A_150, %select_n3A_223 : i32
        %ne3A_225 = arith.constant 0 : i32
        %ne3A_226 = arith.cmpi ne, %rem3A_224, %ne3A_225 : i32
        %lt3A_227 = arith.constant 0 : i32
        %lt3A_228 = arith.cmpi slt, %rem3A_224, %lt3A_227 : i32
        %lt3A_229 = arith.constant 0 : i32
        %lt3A_230 = arith.cmpi slt, %select_n3A_223, %lt3A_229 : i32
        %ne3A_231 = arith.xori %lt3A_228, %lt3A_230 : i1
        %and3A_232 = arith.andi %ne3A_231, %ne3A_226 : i1
        %add3A_233 = arith.addi %rem3A_224, %select_n3A_223 : i32
        %select_n3A_234 = arith.select %and3A_232, %add3A_233, %rem3A_224 : i32
        %swap3A_235 = arith.index_cast %select_n3A_234 : i32 to index
        %swap3A_236 = arith.constant 32 : index
        %swap3A_237 = tpu.vector_load %arg14[%swap3A_235, %swap3A_236] {strides = array<i32>} : memref<128x128xf32, #tpu.memory_space<vmem>>, vector<16xf32>,
        tpu.vector_store %arg14[%swap3A_235, %swap3A_236], %gather3A_218 {strides = array<i32>} : memref<128x128xf32, #tpu.memory_space<vmem>>, vector<16xf32>,
        %add3A_238 = arith.constant 48 : i32
        %add3A_239 = vector.broadcast %add3A_238 : i32 to vector<16xi32>
        %add3A_240 = arith.addi %iota3A, %add3A_239 : vector<16xi32>
        %gather3A_241 = tpu.vector_load_idx %arg12[%add3A_240, %sub3A_170] : memref<64x512xf32, #tpu.memory_space<vmem>>[vector<16xi32>, vector<16xi32>], vector<16xf32>,
        %jit3A_242 = arith.constant 128 : i32
        %eq3A_243 = arith.constant 0 : i32
        %eq3A_244 = arith.cmpi eq, %jit3A_242, %eq3A_243 : i32
        %jit3A_245 = arith.constant 1 : i32
        %select_n3A_246 = arith.select %eq3A_244, %jit3A_245, %jit3A_242 : i32
        %rem3A_247 = arith.remsi %while3A_150, %select_n3A_246 : i32
        %ne3A_248 = arith.constant 0 : i32
        %ne3A_249 = arith.cmpi ne, %rem3A_247, %ne3A_248 : i32
        %lt3A_250 = arith.constant 0 : i32
        %lt3A_251 = arith.cmpi slt, %rem3A_247, %lt3A_250 : i32
        %lt3A_252 = arith.constant 0 : i32
        %lt3A_253 = arith.cmpi slt, %select_n3A_246, %lt3A_252 : i32
        %ne3A_254 = arith.xori %lt3A_251, %lt3A_253 : i1
        %and3A_255 = arith.andi %ne3A_254, %ne3A_249 : i1
        %add3A_256 = arith.addi %rem3A_247, %select_n3A_246 : i32
        %select_n3A_257 = arith.select %and3A_255, %add3A_256, %rem3A_247 : i32
        %swap3A_258 = arith.index_cast %select_n3A_257 : i32 to index
        %swap3A_259 = arith.constant 48 : index
        %swap3A_260 = tpu.vector_load %arg14[%swap3A_258, %swap3A_259] {strides = array<i32>} : memref<128x128xf32, #tpu.memory_space<vmem>>, vector<16xf32>,
        tpu.vector_store %arg14[%swap3A_258, %swap3A_259], %gather3A_241 {strides = array<i32>} : memref<128x128xf32, #tpu.memory_space<vmem>>, vector<16xf32>,
        %and3A_261 = arith.constant 15 : i32
        %and3A_262 = arith.andi %while3A_150, %and3A_261 : i32
        %eq3A_263 = arith.constant 15 : i32
        %eq3A_264 = arith.cmpi eq, %and3A_262, %eq3A_263 : i32
        %convert_element_type3A_265 = arith.extui %eq3A_264 : i1 to i32
        %cond3A_266 = arith.constant 0 : i32
        %cond3A_267 = arith.cmpi ne, %convert_element_type3A_265, %cond3A_266 : i32
        scf.if %cond3A_267 {
          %shift_right_arithmetic3A_268 = arith.constant 4 : i32
          %shift_right_arithmetic3A_269 = arith.shrsi %while3A_150, %shift_right_arithmetic3A_268 : i32
          %mul3A_270 = arith.constant 16 : i32
          %mul3A_271 = arith.muli %shift_right_arithmetic3A_269, %mul3A_270 : i32
          %get3A_272 = arith.index_cast %mul3A_271 : i32 to index
          %get3A_273 = tpu.vector_load %arg8[%get3A_272] {strides = array<i32>} : memref<768xi32, #tpu.memory_space<vmem>>, vector<16xi32>,
          %jit3A_274 = arith.constant 8 : i32
          %eq3A_275 = arith.constant 0 : i32
          %eq3A_276 = arith.cmpi eq, %jit3A_274, %eq3A_275 : i32
          %jit3A_277 = arith.constant 1 : i32
          %select_n3A_278 = arith.select %eq3A_276, %jit3A_277, %jit3A_274 : i32
          %rem3A_279 = arith.remsi %shift_right_arithmetic3A_269, %select_n3A_278 : i32
          %ne3A_280 = arith.constant 0 : i32
          %ne3A_281 = arith.cmpi ne, %rem3A_279, %ne3A_280 : i32
          %lt3A_282 = arith.constant 0 : i32
          %lt3A_283 = arith.cmpi slt, %rem3A_279, %lt3A_282 : i32
          %lt3A_284 = arith.constant 0 : i32
          %lt3A_285 = arith.cmpi slt, %select_n3A_278, %lt3A_284 : i32
          %ne3A_286 = arith.xori %lt3A_283, %lt3A_285 : i1
          %and3A_287 = arith.andi %ne3A_286, %ne3A_281 : i1
          %add3A_288 = arith.addi %rem3A_279, %select_n3A_278 : i32
          %select_n3A_289 = arith.select %and3A_287, %add3A_288, %rem3A_279 : i32
          %mul3A_290 = arith.constant 16 : i32
          %mul3A_291 = arith.muli %select_n3A_289, %mul3A_290 : i32
          %dma_start3A_292 = arith.constant 0 : i32
          %dma_start3A_293 = tpu.memref_slice %arg14[%mul3A_291, %dma_start3A_292] : memref<128x128xf32, #tpu.memory_space<vmem>> -> memref<16x128xf32, #tpu.memory_space<vmem>>
          %dma_start3A_294 = arith.constant 0 : i32
          %dma_start3A_295 = arith.constant 0 : i32
          %dma_start3A_296 = tpu.memref_slice %arg7[%dma_start3A_294, %dma_start3A_295] : memref<16416x128xf32, #tpu.memory_space<hbm>> -> memref<16416x128xf32, #tpu.memory_space<hbm>>
          tpu.enqueue_indirect_dma source(%dma_start3A_293 : memref<16x128xf32, #tpu.memory_space<vmem>>) target(%dma_start3A_296 : memref<16416x128xf32, #tpu.memory_space<hbm>>) offsets(%get3A_273 : vector<16xi32>) semaphore(%arg17 : memref<!tpu.dma_semaphore, #tpu.memory_space<semaphore_mem>>)
        } else {
        }
      }
      %while3A_149 = arith.constant 1 : i32
      scf.for %while3A_150 = %while3A_147 to %while3A_143 step %while3A_149  : i32 {
        %and3A_151 = arith.constant 15 : i32
        %and3A_152 = arith.andi %while3A_150, %and3A_151 : i32
        %eq3A_153 = arith.constant 0 : i32
        %eq3A_154 = arith.cmpi eq, %and3A_152, %eq3A_153 : i32
        %ge3A = arith.constant 128 : i32
        %ge3A_155 = arith.cmpi sge, %while3A_150, %ge3A : i32
        %and3A_156 = arith.andi %eq3A_154, %ge3A_155 : i1
        %convert_element_type3A_157 = arith.extui %and3A_156 : i1 to i32
        %cond3A_158 = arith.constant 0 : i32
        %cond3A_159 = arith.cmpi ne, %convert_element_type3A_157, %cond3A_158 : i32
        scf.if %cond3A_159 {
          %dma_wait3A_268 = arith.constant 0 : i32
          %dma_wait3A_269 = arith.constant 0 : i32
          %dma_wait3A_270 = tpu.memref_slice %arg14[%dma_wait3A_268, %dma_wait3A_269] : memref<128x128xf32, #tpu.memory_space<vmem>> -> memref<16x128xf32, #tpu.memory_space<vmem>>
          %dma_wait3A_271 = arith.constant 0 : i32
          %dma_wait3A_272 = arith.constant 0 : i32
          %dma_wait3A_273 = tpu.memref_slice %arg7[%dma_wait3A_271, %dma_wait3A_272] : memref<16416x128xf32, #tpu.memory_space<hbm>> -> memref<16x128xf32, #tpu.memory_space<hbm>>
          %dma_wait3A_274 = arith.constant 0 : i32
          %dma_wait3A_275 = arith.constant 0 : i32
          %dma_wait3A_276 = tpu.memref_slice %arg14[%dma_wait3A_274, %dma_wait3A_275] : memref<128x128xf32, #tpu.memory_space<vmem>> -> memref<16x128xf32, #tpu.memory_space<vmem>>
          %dma_wait3A_277 = arith.constant 0 : i32
          %dma_wait3A_278 = arith.constant 0 : i32
          %dma_wait3A_279 = tpu.memref_slice %arg7[%dma_wait3A_277, %dma_wait3A_278] : memref<16416x128xf32, #tpu.memory_space<hbm>> -> memref<16x128xf32, #tpu.memory_space<hbm>>
          tpu.wait_dma2 semaphore(%arg17 : memref<!tpu.dma_semaphore, #tpu.memory_space<semaphore_mem>>) src(%dma_wait3A_279 : memref<16x128xf32, #tpu.memory_space<hbm>>) dst(%dma_wait3A_276 : memref<16x128xf32, #tpu.memory_space<vmem>>)
        } else {
        }
        %shift_right_arithmetic3A_160 = arith.constant 4 : i32
        %shift_right_arithmetic3A_161 = arith.shrsi %while3A_150, %shift_right_arithmetic3A_160 : i32
        %mul3A_162 = arith.constant 16 : i32
        %mul3A_163 = arith.muli %shift_right_arithmetic3A_161, %mul3A_162 : i32
        %get3A_164 = arith.index_cast %mul3A_163 : i32 to index
        %get3A_165 = tpu.vector_load %arg9[%get3A_164] {strides = array<i32>} : memref<768xi32, #tpu.memory_space<vmem>>, vector<16xi32>,
        %and3A_166 = arith.constant 15 : i32
        %and3A_167 = arith.andi %while3A_150, %and3A_166 : i32
        %broadcast_in_dim3A_168 = vector.broadcast %and3A_167 : i32 to vector<16x1xi32>
        %gather3A = vector.shape_cast %broadcast_in_dim3A_168 : vector<16x1xi32> to vector<16xi32>
        %gather3A_169 = tpu.dynamic_gather %get3A_165[%gather3A] in [0] : vector<16xi32>, vector<16xi32> -> vector<16xi32>
        %sub3A = vector.broadcast %add3A_119 : i32 to vector<16xi32>
        %sub3A_170 = arith.subi %gather3A_169, %sub3A : vector<16xi32>
        %add3A_171 = arith.constant 0 : i32
        %add3A_172 = vector.broadcast %add3A_171 : i32 to vector<16xi32>
        %add3A_173 = arith.addi %iota3A, %add3A_172 : vector<16xi32>
        %gather3A_174 = tpu.vector_load_idx %arg12[%add3A_173, %sub3A_170] : memref<64x512xf32, #tpu.memory_space<vmem>>[vector<16xi32>, vector<16xi32>], vector<16xf32>,
        %jit3A_175 = arith.constant 128 : i32
        %eq3A_176 = arith.constant 0 : i32
        %eq3A_177 = arith.cmpi eq, %jit3A_175, %eq3A_176 : i32
        %jit3A_178 = arith.constant 1 : i32
        %select_n3A_179 = arith.select %eq3A_177, %jit3A_178, %jit3A_175 : i32
        %rem3A = arith.remsi %while3A_150, %select_n3A_179 : i32
        %ne3A_180 = arith.constant 0 : i32
        %ne3A_181 = arith.cmpi ne, %rem3A, %ne3A_180 : i32
        %lt3A_182 = arith.constant 0 : i32
        %lt3A_183 = arith.cmpi slt, %rem3A, %lt3A_182 : i32
        %lt3A_184 = arith.constant 0 : i32
        %lt3A_185 = arith.cmpi slt, %select_n3A_179, %lt3A_184 : i32
        %ne3A_186 = arith.xori %lt3A_183, %lt3A_185 : i1
        %and3A_187 = arith.andi %ne3A_186, %ne3A_181 : i1
        %add3A_188 = arith.addi %rem3A, %select_n3A_179 : i32
        %select_n3A_189 = arith.select %and3A_187, %add3A_188, %rem3A : i32
        %swap3A = arith.index_cast %select_n3A_189 : i32 to index
        %swap3A_190 = arith.constant 0 : index
        %swap3A_191 = tpu.vector_load %arg14[%swap3A, %swap3A_190] {strides = array<i32>} : memref<128x128xf32, #tpu.memory_space<vmem>>, vector<16xf32>,
        tpu.vector_store %arg14[%swap3A, %swap3A_190], %gather3A_174 {strides = array<i32>} : memref<128x128xf32, #tpu.memory_space<vmem>>, vector<16xf32>,
        %add3A_192 = arith.constant 16 : i32
        %add3A_193 = vector.broadcast %add3A_192 : i32 to vector<16xi32>
        %add3A_194 = arith.addi %iota3A, %add3A_193 : vector<16xi32>
        %gather3A_195 = tpu.vector_load_idx %arg12[%add3A_194, %sub3A_170] : memref<64x512xf32, #tpu.memory_space<vmem>>[vector<16xi32>, vector<16xi32>], vector<16xf32>,
        %jit3A_196 = arith.constant 128 : i32
        %eq3A_197 = arith.constant 0 : i32
        %eq3A_198 = arith.cmpi eq, %jit3A_196, %eq3A_197 : i32
        %jit3A_199 = arith.constant 1 : i32
        %select_n3A_200 = arith.select %eq3A_198, %jit3A_199, %jit3A_196 : i32
        %rem3A_201 = arith.remsi %while3A_150, %select_n3A_200 : i32
        %ne3A_202 = arith.constant 0 : i32
        %ne3A_203 = arith.cmpi ne, %rem3A_201, %ne3A_202 : i32
        %lt3A_204 = arith.constant 0 : i32
        %lt3A_205 = arith.cmpi slt, %rem3A_201, %lt3A_204 : i32
        %lt3A_206 = arith.constant 0 : i32
        %lt3A_207 = arith.cmpi slt, %select_n3A_200, %lt3A_206 : i32
        %ne3A_208 = arith.xori %lt3A_205, %lt3A_207 : i1
        %and3A_209 = arith.andi %ne3A_208, %ne3A_203 : i1
        %add3A_210 = arith.addi %rem3A_201, %select_n3A_200 : i32
        %select_n3A_211 = arith.select %and3A_209, %add3A_210, %rem3A_201 : i32
        %swap3A_212 = arith.index_cast %select_n3A_211 : i32 to index
        %swap3A_213 = arith.constant 16 : index
        %swap3A_214 = tpu.vector_load %arg14[%swap3A_212, %swap3A_213] {strides = array<i32>} : memref<128x128xf32, #tpu.memory_space<vmem>>, vector<16xf32>,
        tpu.vector_store %arg14[%swap3A_212, %swap3A_213], %gather3A_195 {strides = array<i32>} : memref<128x128xf32, #tpu.memory_space<vmem>>, vector<16xf32>,
        %add3A_215 = arith.constant 32 : i32
        %add3A_216 = vector.broadcast %add3A_215 : i32 to vector<16xi32>
        %add3A_217 = arith.addi %iota3A, %add3A_216 : vector<16xi32>
        %gather3A_218 = tpu.vector_load_idx %arg12[%add3A_217, %sub3A_170] : memref<64x512xf32, #tpu.memory_space<vmem>>[vector<16xi32>, vector<16xi32>], vector<16xf32>,
        %jit3A_219 = arith.constant 128 : i32
        %eq3A_220 = arith.constant 0 : i32
        %eq3A_221 = arith.cmpi eq, %jit3A_219, %eq3A_220 : i32
        %jit3A_222 = arith.constant 1 : i32
        %select_n3A_223 = arith.select %eq3A_221, %jit3A_222, %jit3A_219 : i32
        %rem3A_224 = arith.remsi %while3A_150, %select_n3A_223 : i32
        %ne3A_225 = arith.constant 0 : i32
        %ne3A_226 = arith.cmpi ne, %rem3A_224, %ne3A_225 : i32
        %lt3A_227 = arith.constant 0 : i32
        %lt3A_228 = arith.cmpi slt, %rem3A_224, %lt3A_227 : i32
        %lt3A_229 = arith.constant 0 : i32
        %lt3A_230 = arith.cmpi slt, %select_n3A_223, %lt3A_229 : i32
        %ne3A_231 = arith.xori %lt3A_228, %lt3A_230 : i1
        %and3A_232 = arith.andi %ne3A_231, %ne3A_226 : i1
        %add3A_233 = arith.addi %rem3A_224, %select_n3A_223 : i32
        %select_n3A_234 = arith.select %and3A_232, %add3A_233, %rem3A_224 : i32
        %swap3A_235 = arith.index_cast %select_n3A_234 : i32 to index
        %swap3A_236 = arith.constant 32 : index
        %swap3A_237 = tpu.vector_load %arg14[%swap3A_235, %swap3A_236] {strides = array<i32>} : memref<128x128xf32, #tpu.memory_space<vmem>>, vector<16xf32>,
        tpu.vector_store %arg14[%swap3A_235, %swap3A_236], %gather3A_218 {strides = array<i32>} : memref<128x128xf32, #tpu.memory_space<vmem>>, vector<16xf32>,
        %add3A_238 = arith.constant 48 : i32
        %add3A_239 = vector.broadcast %add3A_238 : i32 to vector<16xi32>
        %add3A_240 = arith.addi %iota3A, %add3A_239 : vector<16xi32>
        %gather3A_241 = tpu.vector_load_idx %arg12[%add3A_240, %sub3A_170] : memref<64x512xf32, #tpu.memory_space<vmem>>[vector<16xi32>, vector<16xi32>], vector<16xf32>,
        %jit3A_242 = arith.constant 128 : i32
        %eq3A_243 = arith.constant 0 : i32
        %eq3A_244 = arith.cmpi eq, %jit3A_242, %eq3A_243 : i32
        %jit3A_245 = arith.constant 1 : i32
        %select_n3A_246 = arith.select %eq3A_244, %jit3A_245, %jit3A_242 : i32
        %rem3A_247 = arith.remsi %while3A_150, %select_n3A_246 : i32
        %ne3A_248 = arith.constant 0 : i32
        %ne3A_249 = arith.cmpi ne, %rem3A_247, %ne3A_248 : i32
        %lt3A_250 = arith.constant 0 : i32
        %lt3A_251 = arith.cmpi slt, %rem3A_247, %lt3A_250 : i32
        %lt3A_252 = arith.constant 0 : i32
        %lt3A_253 = arith.cmpi slt, %select_n3A_246, %lt3A_252 : i32
        %ne3A_254 = arith.xori %lt3A_251, %lt3A_253 : i1
        %and3A_255 = arith.andi %ne3A_254, %ne3A_249 : i1
        %add3A_256 = arith.addi %rem3A_247, %select_n3A_246 : i32
        %select_n3A_257 = arith.select %and3A_255, %add3A_256, %rem3A_247 : i32
        %swap3A_258 = arith.index_cast %select_n3A_257 : i32 to index
        %swap3A_259 = arith.constant 48 : index
        %swap3A_260 = tpu.vector_load %arg14[%swap3A_258, %swap3A_259] {strides = array<i32>} : memref<128x128xf32, #tpu.memory_space<vmem>>, vector<16xf32>,
        tpu.vector_store %arg14[%swap3A_258, %swap3A_259], %gather3A_241 {strides = array<i32>} : memref<128x128xf32, #tpu.memory_space<vmem>>, vector<16xf32>,
        %and3A_261 = arith.constant 15 : i32
        %and3A_262 = arith.andi %while3A_150, %and3A_261 : i32
        %eq3A_263 = arith.constant 15 : i32
        %eq3A_264 = arith.cmpi eq, %and3A_262, %eq3A_263 : i32
        %convert_element_type3A_265 = arith.extui %eq3A_264 : i1 to i32
        %cond3A_266 = arith.constant 0 : i32
        %cond3A_267 = arith.cmpi ne, %convert_element_type3A_265, %cond3A_266 : i32
        scf.if %cond3A_267 {
          %shift_right_arithmetic3A_268 = arith.constant 4 : i32
          %shift_right_arithmetic3A_269 = arith.shrsi %while3A_150, %shift_right_arithmetic3A_268 : i32
          %mul3A_270 = arith.constant 16 : i32
          %mul3A_271 = arith.muli %shift_right_arithmetic3A_269, %mul3A_270 : i32
          %get3A_272 = arith.index_cast %mul3A_271 : i32 to index
          %get3A_273 = tpu.vector_load %arg8[%get3A_272] {strides = array<i32>} : memref<768xi32, #tpu.memory_space<vmem>>, vector<16xi32>,
          %jit3A_274 = arith.constant 8 : i32
          %eq3A_275 = arith.constant 0 : i32
          %eq3A_276 = arith.cmpi eq, %jit3A_274, %eq3A_275 : i32
          %jit3A_277 = arith.constant 1 : i32
          %select_n3A_278 = arith.select %eq3A_276, %jit3A_277, %jit3A_274 : i32
          %rem3A_279 = arith.remsi %shift_right_arithmetic3A_269, %select_n3A_278 : i32
          %ne3A_280 = arith.constant 0 : i32
          %ne3A_281 = arith.cmpi ne, %rem3A_279, %ne3A_280 : i32
          %lt3A_282 = arith.constant 0 : i32
          %lt3A_283 = arith.cmpi slt, %rem3A_279, %lt3A_282 : i32
          %lt3A_284 = arith.constant 0 : i32
          %lt3A_285 = arith.cmpi slt, %select_n3A_278, %lt3A_284 : i32
          %ne3A_286 = arith.xori %lt3A_283, %lt3A_285 : i1
          %and3A_287 = arith.andi %ne3A_286, %ne3A_281 : i1
          %add3A_288 = arith.addi %rem3A_279, %select_n3A_278 : i32
          %select_n3A_289 = arith.select %and3A_287, %add3A_288, %rem3A_279 : i32
          %mul3A_290 = arith.constant 16 : i32
          %mul3A_291 = arith.muli %select_n3A_289, %mul3A_290 : i32
          %dma_start3A_292 = arith.constant 0 : i32
          %dma_start3A_293 = tpu.memref_slice %arg14[%mul3A_291, %dma_start3A_292] : memref<128x128xf32, #tpu.memory_space<vmem>> -> memref<16x128xf32, #tpu.memory_space<vmem>>
          %dma_start3A_294 = arith.constant 0 : i32
          %dma_start3A_295 = arith.constant 0 : i32
          %dma_start3A_296 = tpu.memref_slice %arg7[%dma_start3A_294, %dma_start3A_295] : memref<16416x128xf32, #tpu.memory_space<hbm>> -> memref<16416x128xf32, #tpu.memory_space<hbm>>
          tpu.enqueue_indirect_dma source(%dma_start3A_293 : memref<16x128xf32, #tpu.memory_space<vmem>>) target(%dma_start3A_296 : memref<16416x128xf32, #tpu.memory_space<hbm>>) offsets(%get3A_273 : vector<16xi32>) semaphore(%arg17 : memref<!tpu.dma_semaphore, #tpu.memory_space<semaphore_mem>>)
        } else {
        }
      }
      scf.yield %reduce_max3A_140 : i32
    }
    %scan3A_13 = arith.constant 31 : i32
    %get3A = arith.constant 48 : index
    %get3A_14 = tpu.vector_load %arg10[%get3A] {strides = array<i32>} : memref<64xi32, #tpu.memory_space<vmem>>, vector<16xi32>,
    %eq3A = arith.constant 14 : i32
    %eq3A_15 = vector.broadcast %eq3A : i32 to vector<16xi32>
    %eq3A_16 = arith.cmpi eq, %iota3A, %eq3A_15 : vector<16xi32>
    %jit3A = arith.constant 0 : i32
    %broadcast_in_dim3A = vector.broadcast %jit3A : i32 to vector<16xi32>
    %select_n3A = arith.select %eq3A_16, %get3A_14, %broadcast_in_dim3A : vector<16xi1>, vector<16xi32>
    %reduce_max3A = arith.constant true
    %reduce_max3A_17 = vector.broadcast %reduce_max3A : i1 to vector<16xi1>
    %reduce_max3A_18 = arith.constant -2147483648 : i32
    %reduce_max3A_19 = vector.broadcast %reduce_max3A_18 : i32 to vector<16xi32>
    %reduce_max3A_20 = arith.xori %select_n3A, %reduce_max3A_19 : vector<16xi32>
    %reduce_max3A_21 = tpu.scan <max>, %reduce_max3A_20 masked %reduce_max3A_17 : vector<16xi32>, vector<16xi1> -> vector<16xi32>
    %reduce_max3A_22 = arith.xori %reduce_max3A_21, %reduce_max3A_19 : vector<16xi32>
    %reduce_max3A_23 = vector.extract %reduce_max3A_22[15] : i32 from vector<16xi32>
    %while3A = arith.constant 0 : i32
    %while3A_24 = arith.constant 999872 : i32
    %while3A_25 = arith.subi %reduce_max3A_23, %scan3A_12 : i32
    %while3A_26 = arith.addi %scan3A_12, %while3A_25 : i32
    %while3A_27 = arith.constant 1 : i32
    %while3A_28 = arith.divsi %while3A_25, %while3A_27 : i32
    %while3A_29 = arith.muli %while3A_28, %while3A_27 : i32
    %while3A_30 = arith.addi %scan3A_12, %while3A_29 : i32
    %while3A_31 = arith.constant 1 : i32
    scf.for %while3A_50 = %scan3A_12 to %while3A_30 step %while3A_31  : i32 {
      %and3A_51 = arith.constant 15 : i32
      %and3A_52 = arith.andi %while3A_50, %and3A_51 : i32
      %eq3A_53 = arith.constant 0 : i32
      %eq3A_54 = arith.cmpi eq, %and3A_52, %eq3A_53 : i32
      %ge3A = arith.constant 128 : i32
      %ge3A_55 = arith.cmpi sge, %while3A_50, %ge3A : i32
      %and3A_56 = arith.andi %eq3A_54, %ge3A_55 : i1
      %convert_element_type3A_57 = arith.extui %and3A_56 : i1 to i32
      %cond3A_58 = arith.constant 0 : i32
      %cond3A_59 = arith.cmpi ne, %convert_element_type3A_57, %cond3A_58 : i32
      scf.if %cond3A_59 {
        %dma_wait3A = arith.constant 0 : i32
        %dma_wait3A_167 = arith.constant 0 : i32
        %dma_wait3A_168 = tpu.memref_slice %arg14[%dma_wait3A, %dma_wait3A_167] : memref<128x128xf32, #tpu.memory_space<vmem>> -> memref<16x128xf32, #tpu.memory_space<vmem>>
        %dma_wait3A_169 = arith.constant 0 : i32
        %dma_wait3A_170 = arith.constant 0 : i32
        %dma_wait3A_171 = tpu.memref_slice %arg7[%dma_wait3A_169, %dma_wait3A_170] : memref<16416x128xf32, #tpu.memory_space<hbm>> -> memref<16x128xf32, #tpu.memory_space<hbm>>
        %dma_wait3A_172 = arith.constant 0 : i32
        %dma_wait3A_173 = arith.constant 0 : i32
        %dma_wait3A_174 = tpu.memref_slice %arg14[%dma_wait3A_172, %dma_wait3A_173] : memref<128x128xf32, #tpu.memory_space<vmem>> -> memref<16x128xf32, #tpu.memory_space<vmem>>
        %dma_wait3A_175 = arith.constant 0 : i32
        %dma_wait3A_176 = arith.constant 0 : i32
        %dma_wait3A_177 = tpu.memref_slice %arg7[%dma_wait3A_175, %dma_wait3A_176] : memref<16416x128xf32, #tpu.memory_space<hbm>> -> memref<16x128xf32, #tpu.memory_space<hbm>>
        tpu.wait_dma2 semaphore(%arg17 : memref<!tpu.dma_semaphore, #tpu.memory_space<semaphore_mem>>) src(%dma_wait3A_177 : memref<16x128xf32, #tpu.memory_space<hbm>>) dst(%dma_wait3A_174 : memref<16x128xf32, #tpu.memory_space<vmem>>)
      } else {
      }
      %shift_right_arithmetic3A_60 = arith.constant 4 : i32
      %shift_right_arithmetic3A_61 = arith.shrsi %while3A_50, %shift_right_arithmetic3A_60 : i32
      %mul3A_62 = arith.constant 16 : i32
      %mul3A_63 = arith.muli %shift_right_arithmetic3A_61, %mul3A_62 : i32
      %get3A_64 = arith.index_cast %mul3A_63 : i32 to index
      %get3A_65 = tpu.vector_load %arg9[%get3A_64] {strides = array<i32>} : memref<768xi32, #tpu.memory_space<vmem>>, vector<16xi32>,
      %and3A_66 = arith.constant 15 : i32
      %and3A_67 = arith.andi %while3A_50, %and3A_66 : i32
      %broadcast_in_dim3A_68 = vector.broadcast %and3A_67 : i32 to vector<16x1xi32>
      %gather3A = vector.shape_cast %broadcast_in_dim3A_68 : vector<16x1xi32> to vector<16xi32>
      %gather3A_69 = tpu.dynamic_gather %get3A_65[%gather3A] in [0] : vector<16xi32>, vector<16xi32> -> vector<16xi32>
      %sub3A = vector.broadcast %while3A_24 : i32 to vector<16xi32>
      %sub3A_70 = arith.subi %gather3A_69, %sub3A : vector<16xi32>
      %add3A_71 = arith.constant 0 : i32
      %add3A_72 = vector.broadcast %add3A_71 : i32 to vector<16xi32>
      %add3A_73 = arith.addi %iota3A, %add3A_72 : vector<16xi32>
      %gather3A_74 = tpu.vector_load_idx %arg13[%add3A_73, %sub3A_70] : memref<64x128xf32, #tpu.memory_space<vmem>>[vector<16xi32>, vector<16xi32>], vector<16xf32>,
      %jit3A_75 = arith.constant 128 : i32
      %eq3A_76 = arith.constant 0 : i32
      %eq3A_77 = arith.cmpi eq, %jit3A_75, %eq3A_76 : i32
      %jit3A_78 = arith.constant 1 : i32
      %select_n3A_79 = arith.select %eq3A_77, %jit3A_78, %jit3A_75 : i32
      %rem3A = arith.remsi %while3A_50, %select_n3A_79 : i32
      %ne3A_80 = arith.constant 0 : i32
      %ne3A_81 = arith.cmpi ne, %rem3A, %ne3A_80 : i32
      %lt3A = arith.constant 0 : i32
      %lt3A_82 = arith.cmpi slt, %rem3A, %lt3A : i32
      %lt3A_83 = arith.constant 0 : i32
      %lt3A_84 = arith.cmpi slt, %select_n3A_79, %lt3A_83 : i32
      %ne3A_85 = arith.xori %lt3A_82, %lt3A_84 : i1
      %and3A_86 = arith.andi %ne3A_85, %ne3A_81 : i1
      %add3A_87 = arith.addi %rem3A, %select_n3A_79 : i32
      %select_n3A_88 = arith.select %and3A_86, %add3A_87, %rem3A : i32
      %swap3A = arith.index_cast %select_n3A_88 : i32 to index
      %swap3A_89 = arith.constant 0 : index
      %swap3A_90 = tpu.vector_load %arg14[%swap3A, %swap3A_89] {strides = array<i32>} : memref<128x128xf32, #tpu.memory_space<vmem>>, vector<16xf32>,
      tpu.vector_store %arg14[%swap3A, %swap3A_89], %gather3A_74 {strides = array<i32>} : memref<128x128xf32, #tpu.memory_space<vmem>>, vector<16xf32>,
      %add3A_91 = arith.constant 16 : i32
      %add3A_92 = vector.broadcast %add3A_91 : i32 to vector<16xi32>
      %add3A_93 = arith.addi %iota3A, %add3A_92 : vector<16xi32>
      %gather3A_94 = tpu.vector_load_idx %arg13[%add3A_93, %sub3A_70] : memref<64x128xf32, #tpu.memory_space<vmem>>[vector<16xi32>, vector<16xi32>], vector<16xf32>,
      %jit3A_95 = arith.constant 128 : i32
      %eq3A_96 = arith.constant 0 : i32
      %eq3A_97 = arith.cmpi eq, %jit3A_95, %eq3A_96 : i32
      %jit3A_98 = arith.constant 1 : i32
      %select_n3A_99 = arith.select %eq3A_97, %jit3A_98, %jit3A_95 : i32
      %rem3A_100 = arith.remsi %while3A_50, %select_n3A_99 : i32
      %ne3A_101 = arith.constant 0 : i32
      %ne3A_102 = arith.cmpi ne, %rem3A_100, %ne3A_101 : i32
      %lt3A_103 = arith.constant 0 : i32
      %lt3A_104 = arith.cmpi slt, %rem3A_100, %lt3A_103 : i32
      %lt3A_105 = arith.constant 0 : i32
      %lt3A_106 = arith.cmpi slt, %select_n3A_99, %lt3A_105 : i32
      %ne3A_107 = arith.xori %lt3A_104, %lt3A_106 : i1
      %and3A_108 = arith.andi %ne3A_107, %ne3A_102 : i1
      %add3A_109 = arith.addi %rem3A_100, %select_n3A_99 : i32
      %select_n3A_110 = arith.select %and3A_108, %add3A_109, %rem3A_100 : i32
      %swap3A_111 = arith.index_cast %select_n3A_110 : i32 to index
      %swap3A_112 = arith.constant 16 : index
      %swap3A_113 = tpu.vector_load %arg14[%swap3A_111, %swap3A_112] {strides = array<i32>} : memref<128x128xf32, #tpu.memory_space<vmem>>, vector<16xf32>,
      tpu.vector_store %arg14[%swap3A_111, %swap3A_112], %gather3A_94 {strides = array<i32>} : memref<128x128xf32, #tpu.memory_space<vmem>>, vector<16xf32>,
      %add3A_114 = arith.constant 32 : i32
      %add3A_115 = vector.broadcast %add3A_114 : i32 to vector<16xi32>
      %add3A_116 = arith.addi %iota3A, %add3A_115 : vector<16xi32>
      %gather3A_117 = tpu.vector_load_idx %arg13[%add3A_116, %sub3A_70] : memref<64x128xf32, #tpu.memory_space<vmem>>[vector<16xi32>, vector<16xi32>], vector<16xf32>,
      %jit3A_118 = arith.constant 128 : i32
      %eq3A_119 = arith.constant 0 : i32
      %eq3A_120 = arith.cmpi eq, %jit3A_118, %eq3A_119 : i32
      %jit3A_121 = arith.constant 1 : i32
      %select_n3A_122 = arith.select %eq3A_120, %jit3A_121, %jit3A_118 : i32
      %rem3A_123 = arith.remsi %while3A_50, %select_n3A_122 : i32
      %ne3A_124 = arith.constant 0 : i32
      %ne3A_125 = arith.cmpi ne, %rem3A_123, %ne3A_124 : i32
      %lt3A_126 = arith.constant 0 : i32
      %lt3A_127 = arith.cmpi slt, %rem3A_123, %lt3A_126 : i32
      %lt3A_128 = arith.constant 0 : i32
      %lt3A_129 = arith.cmpi slt, %select_n3A_122, %lt3A_128 : i32
      %ne3A_130 = arith.xori %lt3A_127, %lt3A_129 : i1
      %and3A_131 = arith.andi %ne3A_130, %ne3A_125 : i1
      %add3A_132 = arith.addi %rem3A_123, %select_n3A_122 : i32
      %select_n3A_133 = arith.select %and3A_131, %add3A_132, %rem3A_123 : i32
      %swap3A_134 = arith.index_cast %select_n3A_133 : i32 to index
      %swap3A_135 = arith.constant 32 : index
      %swap3A_136 = tpu.vector_load %arg14[%swap3A_134, %swap3A_135] {strides = array<i32>} : memref<128x128xf32, #tpu.memory_space<vmem>>, vector<16xf32>,
      tpu.vector_store %arg14[%swap3A_134, %swap3A_135], %gather3A_117 {strides = array<i32>} : memref<128x128xf32, #tpu.memory_space<vmem>>, vector<16xf32>,
      %add3A_137 = arith.constant 48 : i32
      %add3A_138 = vector.broadcast %add3A_137 : i32 to vector<16xi32>
      %add3A_139 = arith.addi %iota3A, %add3A_138 : vector<16xi32>
      %gather3A_140 = tpu.vector_load_idx %arg13[%add3A_139, %sub3A_70] : memref<64x128xf32, #tpu.memory_space<vmem>>[vector<16xi32>, vector<16xi32>], vector<16xf32>,
      %jit3A_141 = arith.constant 128 : i32
      %eq3A_142 = arith.constant 0 : i32
      %eq3A_143 = arith.cmpi eq, %jit3A_141, %eq3A_142 : i32
      %jit3A_144 = arith.constant 1 : i32
      %select_n3A_145 = arith.select %eq3A_143, %jit3A_144, %jit3A_141 : i32
      %rem3A_146 = arith.remsi %while3A_50, %select_n3A_145 : i32
      %ne3A_147 = arith.constant 0 : i32
      %ne3A_148 = arith.cmpi ne, %rem3A_146, %ne3A_147 : i32
      %lt3A_149 = arith.constant 0 : i32
      %lt3A_150 = arith.cmpi slt, %rem3A_146, %lt3A_149 : i32
      %lt3A_151 = arith.constant 0 : i32
      %lt3A_152 = arith.cmpi slt, %select_n3A_145, %lt3A_151 : i32
      %ne3A_153 = arith.xori %lt3A_150, %lt3A_152 : i1
      %and3A_154 = arith.andi %ne3A_153, %ne3A_148 : i1
      %add3A_155 = arith.addi %rem3A_146, %select_n3A_145 : i32
      %select_n3A_156 = arith.select %and3A_154, %add3A_155, %rem3A_146 : i32
      %swap3A_157 = arith.index_cast %select_n3A_156 : i32 to index
      %swap3A_158 = arith.constant 48 : index
      %swap3A_159 = tpu.vector_load %arg14[%swap3A_157, %swap3A_158] {strides = array<i32>} : memref<128x128xf32, #tpu.memory_space<vmem>>, vector<16xf32>,
      tpu.vector_store %arg14[%swap3A_157, %swap3A_158], %gather3A_140 {strides = array<i32>} : memref<128x128xf32, #tpu.memory_space<vmem>>, vector<16xf32>,
      %and3A_160 = arith.constant 15 : i32
      %and3A_161 = arith.andi %while3A_50, %and3A_160 : i32
      %eq3A_162 = arith.constant 15 : i32
      %eq3A_163 = arith.cmpi eq, %and3A_161, %eq3A_162 : i32
      %convert_element_type3A_164 = arith.extui %eq3A_163 : i1 to i32
      %cond3A_165 = arith.constant 0 : i32
      %cond3A_166 = arith.cmpi ne, %convert_element_type3A_164, %cond3A_165 : i32
      scf.if %cond3A_166 {
        %shift_right_arithmetic3A_167 = arith.constant 4 : i32
        %shift_right_arithmetic3A_168 = arith.shrsi %while3A_50, %shift_right_arithmetic3A_167 : i32
        %mul3A_169 = arith.constant 16 : i32
        %mul3A_170 = arith.muli %shift_right_arithmetic3A_168, %mul3A_169 : i32
        %get3A_171 = arith.index_cast %mul3A_170 : i32 to index
        %get3A_172 = tpu.vector_load %arg8[%get3A_171] {strides = array<i32>} : memref<768xi32, #tpu.memory_space<vmem>>, vector<16xi32>,
        %jit3A_173 = arith.constant 8 : i32
        %eq3A_174 = arith.constant 0 : i32
        %eq3A_175 = arith.cmpi eq, %jit3A_173, %eq3A_174 : i32
        %jit3A_176 = arith.constant 1 : i32
        %select_n3A_177 = arith.select %eq3A_175, %jit3A_176, %jit3A_173 : i32
        %rem3A_178 = arith.remsi %shift_right_arithmetic3A_168, %select_n3A_177 : i32
        %ne3A_179 = arith.constant 0 : i32
        %ne3A_180 = arith.cmpi ne, %rem3A_178, %ne3A_179 : i32
        %lt3A_181 = arith.constant 0 : i32
        %lt3A_182 = arith.cmpi slt, %rem3A_178, %lt3A_181 : i32
        %lt3A_183 = arith.constant 0 : i32
        %lt3A_184 = arith.cmpi slt, %select_n3A_177, %lt3A_183 : i32
        %ne3A_185 = arith.xori %lt3A_182, %lt3A_184 : i1
        %and3A_186 = arith.andi %ne3A_185, %ne3A_180 : i1
        %add3A_187 = arith.addi %rem3A_178, %select_n3A_177 : i32
        %select_n3A_188 = arith.select %and3A_186, %add3A_187, %rem3A_178 : i32
        %mul3A_189 = arith.constant 16 : i32
        %mul3A_190 = arith.muli %select_n3A_188, %mul3A_189 : i32
        %dma_start3A_191 = arith.constant 0 : i32
        %dma_start3A_192 = tpu.memref_slice %arg14[%mul3A_190, %dma_start3A_191] : memref<128x128xf32, #tpu.memory_space<vmem>> -> memref<16x128xf32, #tpu.memory_space<vmem>>
        %dma_start3A_193 = arith.constant 0 : i32
        %dma_start3A_194 = arith.constant 0 : i32
        %dma_start3A_195 = tpu.memref_slice %arg7[%dma_start3A_193, %dma_start3A_194] : memref<16416x128xf32, #tpu.memory_space<hbm>> -> memref<16416x128xf32, #tpu.memory_space<hbm>>
        tpu.enqueue_indirect_dma source(%dma_start3A_192 : memref<16x128xf32, #tpu.memory_space<vmem>>) target(%dma_start3A_195 : memref<16416x128xf32, #tpu.memory_space<hbm>>) offsets(%get3A_172 : vector<16xi32>) semaphore(%arg17 : memref<!tpu.dma_semaphore, #tpu.memory_space<semaphore_mem>>)
      } else {
      }
    }
    %while3A_32 = arith.constant 1 : i32
    scf.for %while3A_50 = %while3A_30 to %while3A_26 step %while3A_32  : i32 {
      %and3A_51 = arith.constant 15 : i32
      %and3A_52 = arith.andi %while3A_50, %and3A_51 : i32
      %eq3A_53 = arith.constant 0 : i32
      %eq3A_54 = arith.cmpi eq, %and3A_52, %eq3A_53 : i32
      %ge3A = arith.constant 128 : i32
      %ge3A_55 = arith.cmpi sge, %while3A_50, %ge3A : i32
      %and3A_56 = arith.andi %eq3A_54, %ge3A_55 : i1
      %convert_element_type3A_57 = arith.extui %and3A_56 : i1 to i32
      %cond3A_58 = arith.constant 0 : i32
      %cond3A_59 = arith.cmpi ne, %convert_element_type3A_57, %cond3A_58 : i32
      scf.if %cond3A_59 {
        %dma_wait3A = arith.constant 0 : i32
        %dma_wait3A_167 = arith.constant 0 : i32
        %dma_wait3A_168 = tpu.memref_slice %arg14[%dma_wait3A, %dma_wait3A_167] : memref<128x128xf32, #tpu.memory_space<vmem>> -> memref<16x128xf32, #tpu.memory_space<vmem>>
        %dma_wait3A_169 = arith.constant 0 : i32
        %dma_wait3A_170 = arith.constant 0 : i32
        %dma_wait3A_171 = tpu.memref_slice %arg7[%dma_wait3A_169, %dma_wait3A_170] : memref<16416x128xf32, #tpu.memory_space<hbm>> -> memref<16x128xf32, #tpu.memory_space<hbm>>
        %dma_wait3A_172 = arith.constant 0 : i32
        %dma_wait3A_173 = arith.constant 0 : i32
        %dma_wait3A_174 = tpu.memref_slice %arg14[%dma_wait3A_172, %dma_wait3A_173] : memref<128x128xf32, #tpu.memory_space<vmem>> -> memref<16x128xf32, #tpu.memory_space<vmem>>
        %dma_wait3A_175 = arith.constant 0 : i32
        %dma_wait3A_176 = arith.constant 0 : i32
        %dma_wait3A_177 = tpu.memref_slice %arg7[%dma_wait3A_175, %dma_wait3A_176] : memref<16416x128xf32, #tpu.memory_space<hbm>> -> memref<16x128xf32, #tpu.memory_space<hbm>>
        tpu.wait_dma2 semaphore(%arg17 : memref<!tpu.dma_semaphore, #tpu.memory_space<semaphore_mem>>) src(%dma_wait3A_177 : memref<16x128xf32, #tpu.memory_space<hbm>>) dst(%dma_wait3A_174 : memref<16x128xf32, #tpu.memory_space<vmem>>)
      } else {
      }
      %shift_right_arithmetic3A_60 = arith.constant 4 : i32
      %shift_right_arithmetic3A_61 = arith.shrsi %while3A_50, %shift_right_arithmetic3A_60 : i32
      %mul3A_62 = arith.constant 16 : i32
      %mul3A_63 = arith.muli %shift_right_arithmetic3A_61, %mul3A_62 : i32
      %get3A_64 = arith.index_cast %mul3A_63 : i32 to index
      %get3A_65 = tpu.vector_load %arg9[%get3A_64] {strides = array<i32>} : memref<768xi32, #tpu.memory_space<vmem>>, vector<16xi32>,
      %and3A_66 = arith.constant 15 : i32
      %and3A_67 = arith.andi %while3A_50, %and3A_66 : i32
      %broadcast_in_dim3A_68 = vector.broadcast %and3A_67 : i32 to vector<16x1xi32>
      %gather3A = vector.shape_cast %broadcast_in_dim3A_68 : vector<16x1xi32> to vector<16xi32>
      %gather3A_69 = tpu.dynamic_gather %get3A_65[%gather3A] in [0] : vector<16xi32>, vector<16xi32> -> vector<16xi32>
      %sub3A = vector.broadcast %while3A_24 : i32 to vector<16xi32>
      %sub3A_70 = arith.subi %gather3A_69, %sub3A : vector<16xi32>
      %add3A_71 = arith.constant 0 : i32
      %add3A_72 = vector.broadcast %add3A_71 : i32 to vector<16xi32>
      %add3A_73 = arith.addi %iota3A, %add3A_72 : vector<16xi32>
      %gather3A_74 = tpu.vector_load_idx %arg13[%add3A_73, %sub3A_70] : memref<64x128xf32, #tpu.memory_space<vmem>>[vector<16xi32>, vector<16xi32>], vector<16xf32>,
      %jit3A_75 = arith.constant 128 : i32
      %eq3A_76 = arith.constant 0 : i32
      %eq3A_77 = arith.cmpi eq, %jit3A_75, %eq3A_76 : i32
      %jit3A_78 = arith.constant 1 : i32
      %select_n3A_79 = arith.select %eq3A_77, %jit3A_78, %jit3A_75 : i32
      %rem3A = arith.remsi %while3A_50, %select_n3A_79 : i32
      %ne3A_80 = arith.constant 0 : i32
      %ne3A_81 = arith.cmpi ne, %rem3A, %ne3A_80 : i32
      %lt3A = arith.constant 0 : i32
      %lt3A_82 = arith.cmpi slt, %rem3A, %lt3A : i32
      %lt3A_83 = arith.constant 0 : i32
      %lt3A_84 = arith.cmpi slt, %select_n3A_79, %lt3A_83 : i32
      %ne3A_85 = arith.xori %lt3A_82, %lt3A_84 : i1
      %and3A_86 = arith.andi %ne3A_85, %ne3A_81 : i1
      %add3A_87 = arith.addi %rem3A, %select_n3A_79 : i32
      %select_n3A_88 = arith.select %and3A_86, %add3A_87, %rem3A : i32
      %swap3A = arith.index_cast %select_n3A_88 : i32 to index
      %swap3A_89 = arith.constant 0 : index
      %swap3A_90 = tpu.vector_load %arg14[%swap3A, %swap3A_89] {strides = array<i32>} : memref<128x128xf32, #tpu.memory_space<vmem>>, vector<16xf32>,
      tpu.vector_store %arg14[%swap3A, %swap3A_89], %gather3A_74 {strides = array<i32>} : memref<128x128xf32, #tpu.memory_space<vmem>>, vector<16xf32>,
      %add3A_91 = arith.constant 16 : i32
      %add3A_92 = vector.broadcast %add3A_91 : i32 to vector<16xi32>
      %add3A_93 = arith.addi %iota3A, %add3A_92 : vector<16xi32>
      %gather3A_94 = tpu.vector_load_idx %arg13[%add3A_93, %sub3A_70] : memref<64x128xf32, #tpu.memory_space<vmem>>[vector<16xi32>, vector<16xi32>], vector<16xf32>,
      %jit3A_95 = arith.constant 128 : i32
      %eq3A_96 = arith.constant 0 : i32
      %eq3A_97 = arith.cmpi eq, %jit3A_95, %eq3A_96 : i32
      %jit3A_98 = arith.constant 1 : i32
      %select_n3A_99 = arith.select %eq3A_97, %jit3A_98, %jit3A_95 : i32
      %rem3A_100 = arith.remsi %while3A_50, %select_n3A_99 : i32
      %ne3A_101 = arith.constant 0 : i32
      %ne3A_102 = arith.cmpi ne, %rem3A_100, %ne3A_101 : i32
      %lt3A_103 = arith.constant 0 : i32
      %lt3A_104 = arith.cmpi slt, %rem3A_100, %lt3A_103 : i32
      %lt3A_105 = arith.constant 0 : i32
      %lt3A_106 = arith.cmpi slt, %select_n3A_99, %lt3A_105 : i32
      %ne3A_107 = arith.xori %lt3A_104, %lt3A_106 : i1
      %and3A_108 = arith.andi %ne3A_107, %ne3A_102 : i1
      %add3A_109 = arith.addi %rem3A_100, %select_n3A_99 : i32
      %select_n3A_110 = arith.select %and3A_108, %add3A_109, %rem3A_100 : i32
      %swap3A_111 = arith.index_cast %select_n3A_110 : i32 to index
      %swap3A_112 = arith.constant 16 : index
      %swap3A_113 = tpu.vector_load %arg14[%swap3A_111, %swap3A_112] {strides = array<i32>} : memref<128x128xf32, #tpu.memory_space<vmem>>, vector<16xf32>,
      tpu.vector_store %arg14[%swap3A_111, %swap3A_112], %gather3A_94 {strides = array<i32>} : memref<128x128xf32, #tpu.memory_space<vmem>>, vector<16xf32>,
      %add3A_114 = arith.constant 32 : i32
      %add3A_115 = vector.broadcast %add3A_114 : i32 to vector<16xi32>
      %add3A_116 = arith.addi %iota3A, %add3A_115 : vector<16xi32>
      %gather3A_117 = tpu.vector_load_idx %arg13[%add3A_116, %sub3A_70] : memref<64x128xf32, #tpu.memory_space<vmem>>[vector<16xi32>, vector<16xi32>], vector<16xf32>,
      %jit3A_118 = arith.constant 128 : i32
      %eq3A_119 = arith.constant 0 : i32
      %eq3A_120 = arith.cmpi eq, %jit3A_118, %eq3A_119 : i32
      %jit3A_121 = arith.constant 1 : i32
      %select_n3A_122 = arith.select %eq3A_120, %jit3A_121, %jit3A_118 : i32
      %rem3A_123 = arith.remsi %while3A_50, %select_n3A_122 : i32
      %ne3A_124 = arith.constant 0 : i32
      %ne3A_125 = arith.cmpi ne, %rem3A_123, %ne3A_124 : i32
      %lt3A_126 = arith.constant 0 : i32
      %lt3A_127 = arith.cmpi slt, %rem3A_123, %lt3A_126 : i32
      %lt3A_128 = arith.constant 0 : i32
      %lt3A_129 = arith.cmpi slt, %select_n3A_122, %lt3A_128 : i32
      %ne3A_130 = arith.xori %lt3A_127, %lt3A_129 : i1
      %and3A_131 = arith.andi %ne3A_130, %ne3A_125 : i1
      %add3A_132 = arith.addi %rem3A_123, %select_n3A_122 : i32
      %select_n3A_133 = arith.select %and3A_131, %add3A_132, %rem3A_123 : i32
      %swap3A_134 = arith.index_cast %select_n3A_133 : i32 to index
      %swap3A_135 = arith.constant 32 : index
      %swap3A_136 = tpu.vector_load %arg14[%swap3A_134, %swap3A_135] {strides = array<i32>} : memref<128x128xf32, #tpu.memory_space<vmem>>, vector<16xf32>,
      tpu.vector_store %arg14[%swap3A_134, %swap3A_135], %gather3A_117 {strides = array<i32>} : memref<128x128xf32, #tpu.memory_space<vmem>>, vector<16xf32>,
      %add3A_137 = arith.constant 48 : i32
      %add3A_138 = vector.broadcast %add3A_137 : i32 to vector<16xi32>
      %add3A_139 = arith.addi %iota3A, %add3A_138 : vector<16xi32>
      %gather3A_140 = tpu.vector_load_idx %arg13[%add3A_139, %sub3A_70] : memref<64x128xf32, #tpu.memory_space<vmem>>[vector<16xi32>, vector<16xi32>], vector<16xf32>,
      %jit3A_141 = arith.constant 128 : i32
      %eq3A_142 = arith.constant 0 : i32
      %eq3A_143 = arith.cmpi eq, %jit3A_141, %eq3A_142 : i32
      %jit3A_144 = arith.constant 1 : i32
      %select_n3A_145 = arith.select %eq3A_143, %jit3A_144, %jit3A_141 : i32
      %rem3A_146 = arith.remsi %while3A_50, %select_n3A_145 : i32
      %ne3A_147 = arith.constant 0 : i32
      %ne3A_148 = arith.cmpi ne, %rem3A_146, %ne3A_147 : i32
      %lt3A_149 = arith.constant 0 : i32
      %lt3A_150 = arith.cmpi slt, %rem3A_146, %lt3A_149 : i32
      %lt3A_151 = arith.constant 0 : i32
      %lt3A_152 = arith.cmpi slt, %select_n3A_145, %lt3A_151 : i32
      %ne3A_153 = arith.xori %lt3A_150, %lt3A_152 : i1
      %and3A_154 = arith.andi %ne3A_153, %ne3A_148 : i1
      %add3A_155 = arith.addi %rem3A_146, %select_n3A_145 : i32
      %select_n3A_156 = arith.select %and3A_154, %add3A_155, %rem3A_146 : i32
      %swap3A_157 = arith.index_cast %select_n3A_156 : i32 to index
      %swap3A_158 = arith.constant 48 : index
      %swap3A_159 = tpu.vector_load %arg14[%swap3A_157, %swap3A_158] {strides = array<i32>} : memref<128x128xf32, #tpu.memory_space<vmem>>, vector<16xf32>,
      tpu.vector_store %arg14[%swap3A_157, %swap3A_158], %gather3A_140 {strides = array<i32>} : memref<128x128xf32, #tpu.memory_space<vmem>>, vector<16xf32>,
      %and3A_160 = arith.constant 15 : i32
      %and3A_161 = arith.andi %while3A_50, %and3A_160 : i32
      %eq3A_162 = arith.constant 15 : i32
      %eq3A_163 = arith.cmpi eq, %and3A_161, %eq3A_162 : i32
      %convert_element_type3A_164 = arith.extui %eq3A_163 : i1 to i32
      %cond3A_165 = arith.constant 0 : i32
      %cond3A_166 = arith.cmpi ne, %convert_element_type3A_164, %cond3A_165 : i32
      scf.if %cond3A_166 {
        %shift_right_arithmetic3A_167 = arith.constant 4 : i32
        %shift_right_arithmetic3A_168 = arith.shrsi %while3A_50, %shift_right_arithmetic3A_167 : i32
        %mul3A_169 = arith.constant 16 : i32
        %mul3A_170 = arith.muli %shift_right_arithmetic3A_168, %mul3A_169 : i32
        %get3A_171 = arith.index_cast %mul3A_170 : i32 to index
        %get3A_172 = tpu.vector_load %arg8[%get3A_171] {strides = array<i32>} : memref<768xi32, #tpu.memory_space<vmem>>, vector<16xi32>,
        %jit3A_173 = arith.constant 8 : i32
        %eq3A_174 = arith.constant 0 : i32
        %eq3A_175 = arith.cmpi eq, %jit3A_173, %eq3A_174 : i32
        %jit3A_176 = arith.constant 1 : i32
        %select_n3A_177 = arith.select %eq3A_175, %jit3A_176, %jit3A_173 : i32
        %rem3A_178 = arith.remsi %shift_right_arithmetic3A_168, %select_n3A_177 : i32
        %ne3A_179 = arith.constant 0 : i32
        %ne3A_180 = arith.cmpi ne, %rem3A_178, %ne3A_179 : i32
        %lt3A_181 = arith.constant 0 : i32
        %lt3A_182 = arith.cmpi slt, %rem3A_178, %lt3A_181 : i32
        %lt3A_183 = arith.constant 0 : i32
        %lt3A_184 = arith.cmpi slt, %select_n3A_177, %lt3A_183 : i32
        %ne3A_185 = arith.xori %lt3A_182, %lt3A_184 : i1
        %and3A_186 = arith.andi %ne3A_185, %ne3A_180 : i1
        %add3A_187 = arith.addi %rem3A_178, %select_n3A_177 : i32
        %select_n3A_188 = arith.select %and3A_186, %add3A_187, %rem3A_178 : i32
        %mul3A_189 = arith.constant 16 : i32
        %mul3A_190 = arith.muli %select_n3A_188, %mul3A_189 : i32
        %dma_start3A_191 = arith.constant 0 : i32
        %dma_start3A_192 = tpu.memref_slice %arg14[%mul3A_190, %dma_start3A_191] : memref<128x128xf32, #tpu.memory_space<vmem>> -> memref<16x128xf32, #tpu.memory_space<vmem>>
        %dma_start3A_193 = arith.constant 0 : i32
        %dma_start3A_194 = arith.constant 0 : i32
        %dma_start3A_195 = tpu.memref_slice %arg7[%dma_start3A_193, %dma_start3A_194] : memref<16416x128xf32, #tpu.memory_space<hbm>> -> memref<16416x128xf32, #tpu.memory_space<hbm>>
        tpu.enqueue_indirect_dma source(%dma_start3A_192 : memref<16x128xf32, #tpu.memory_space<vmem>>) target(%dma_start3A_195 : memref<16416x128xf32, #tpu.memory_space<hbm>>) offsets(%get3A_172 : vector<16xi32>) semaphore(%arg17 : memref<!tpu.dma_semaphore, #tpu.memory_space<semaphore_mem>>)
      } else {
      }
    }
    %and3A = arith.constant 15 : i32
    %and3A_33 = arith.andi %reduce_max3A_23, %and3A : i32
    %ne3A = arith.constant 0 : i32
    %ne3A_34 = arith.cmpi ne, %and3A_33, %ne3A : i32
    %convert_element_type3A = arith.extui %ne3A_34 : i1 to i32
    %cond3A = arith.constant 0 : i32
    %cond3A_35 = arith.cmpi ne, %convert_element_type3A, %cond3A : i32
    scf.if %cond3A_35 {
      %shift_right_arithmetic3A_50 = arith.constant 4 : i32
      %shift_right_arithmetic3A_51 = arith.shrsi %reduce_max3A_23, %shift_right_arithmetic3A_50 : i32
      %mul3A_52 = arith.constant 16 : i32
      %mul3A_53 = arith.muli %shift_right_arithmetic3A_51, %mul3A_52 : i32
      %get3A_54 = arith.index_cast %mul3A_53 : i32 to index
      %get3A_55 = tpu.vector_load %arg8[%get3A_54] {strides = array<i32>} : memref<768xi32, #tpu.memory_space<vmem>>, vector<16xi32>,
      %jit3A_56 = arith.constant 8 : i32
      %eq3A_57 = arith.constant 0 : i32
      %eq3A_58 = arith.cmpi eq, %jit3A_56, %eq3A_57 : i32
      %jit3A_59 = arith.constant 1 : i32
      %select_n3A_60 = arith.select %eq3A_58, %jit3A_59, %jit3A_56 : i32
      %rem3A = arith.remsi %shift_right_arithmetic3A_51, %select_n3A_60 : i32
      %ne3A_61 = arith.constant 0 : i32
      %ne3A_62 = arith.cmpi ne, %rem3A, %ne3A_61 : i32
      %lt3A = arith.constant 0 : i32
      %lt3A_63 = arith.cmpi slt, %rem3A, %lt3A : i32
      %lt3A_64 = arith.constant 0 : i32
      %lt3A_65 = arith.cmpi slt, %select_n3A_60, %lt3A_64 : i32
      %ne3A_66 = arith.xori %lt3A_63, %lt3A_65 : i1
      %and3A_67 = arith.andi %ne3A_66, %ne3A_62 : i1
      %add3A_68 = arith.addi %rem3A, %select_n3A_60 : i32
      %select_n3A_69 = arith.select %and3A_67, %add3A_68, %rem3A : i32
      %mul3A_70 = arith.constant 16 : i32
      %mul3A_71 = arith.muli %select_n3A_69, %mul3A_70 : i32
      %dma_start3A_72 = arith.constant 0 : i32
      %dma_start3A_73 = tpu.memref_slice %arg14[%mul3A_71, %dma_start3A_72] : memref<128x128xf32, #tpu.memory_space<vmem>> -> memref<16x128xf32, #tpu.memory_space<vmem>>
      %dma_start3A_74 = arith.constant 0 : i32
      %dma_start3A_75 = arith.constant 0 : i32
      %dma_start3A_76 = tpu.memref_slice %arg7[%dma_start3A_74, %dma_start3A_75] : memref<16416x128xf32, #tpu.memory_space<hbm>> -> memref<16416x128xf32, #tpu.memory_space<hbm>>
      tpu.enqueue_indirect_dma source(%dma_start3A_73 : memref<16x128xf32, #tpu.memory_space<vmem>>) target(%dma_start3A_76 : memref<16416x128xf32, #tpu.memory_space<hbm>>) offsets(%get3A_55 : vector<16xi32>) semaphore(%arg17 : memref<!tpu.dma_semaphore, #tpu.memory_space<semaphore_mem>>)
    } else {
    }
    %add3A_36 = arith.constant 15 : i32
    %add3A_37 = arith.addi %reduce_max3A_23, %add3A_36 : i32
    %shift_right_arithmetic3A = arith.constant 4 : i32
    %shift_right_arithmetic3A_38 = arith.shrsi %add3A_37, %shift_right_arithmetic3A : i32
    %min3A = arith.constant 8 : i32
    %min3A_39 = arith.minsi %shift_right_arithmetic3A_38, %min3A : i32
    %while3A_40 = arith.constant 0 : i32
    %while3A_41 = arith.constant 0 : i32
    %while3A_42 = arith.subi %min3A_39, %while3A_41 : i32
    %while3A_43 = arith.addi %while3A_41, %while3A_42 : i32
    %while3A_44 = arith.constant 1 : i32
    %while3A_45 = arith.divsi %while3A_42, %while3A_44 : i32
    %while3A_46 = arith.muli %while3A_45, %while3A_44 : i32
    %while3A_47 = arith.addi %while3A_41, %while3A_46 : i32
    %while3A_48 = arith.constant 1 : i32
    scf.for %while3A_50 = %while3A_41 to %while3A_47 step %while3A_48  : i32 {
      %dma_wait3A = arith.constant 0 : i32
      %dma_wait3A_51 = arith.constant 0 : i32
      %dma_wait3A_52 = tpu.memref_slice %arg14[%dma_wait3A, %dma_wait3A_51] : memref<128x128xf32, #tpu.memory_space<vmem>> -> memref<16x128xf32, #tpu.memory_space<vmem>>
      %dma_wait3A_53 = arith.constant 0 : i32
      %dma_wait3A_54 = arith.constant 0 : i32
      %dma_wait3A_55 = tpu.memref_slice %arg7[%dma_wait3A_53, %dma_wait3A_54] : memref<16416x128xf32, #tpu.memory_space<hbm>> -> memref<16x128xf32, #tpu.memory_space<hbm>>
      %dma_wait3A_56 = arith.constant 0 : i32
      %dma_wait3A_57 = arith.constant 0 : i32
      %dma_wait3A_58 = tpu.memref_slice %arg14[%dma_wait3A_56, %dma_wait3A_57] : memref<128x128xf32, #tpu.memory_space<vmem>> -> memref<16x128xf32, #tpu.memory_space<vmem>>
      %dma_wait3A_59 = arith.constant 0 : i32
      %dma_wait3A_60 = arith.constant 0 : i32
      %dma_wait3A_61 = tpu.memref_slice %arg7[%dma_wait3A_59, %dma_wait3A_60] : memref<16416x128xf32, #tpu.memory_space<hbm>> -> memref<16x128xf32, #tpu.memory_space<hbm>>
      tpu.wait_dma2 semaphore(%arg17 : memref<!tpu.dma_semaphore, #tpu.memory_space<semaphore_mem>>) src(%dma_wait3A_61 : memref<16x128xf32, #tpu.memory_space<hbm>>) dst(%dma_wait3A_58 : memref<16x128xf32, #tpu.memory_space<vmem>>)
    }
    %while3A_49 = arith.constant 1 : i32
    scf.for %while3A_50 = %while3A_47 to %while3A_43 step %while3A_49  : i32 {
      %dma_wait3A = arith.constant 0 : i32
      %dma_wait3A_51 = arith.constant 0 : i32
      %dma_wait3A_52 = tpu.memref_slice %arg14[%dma_wait3A, %dma_wait3A_51] : memref<128x128xf32, #tpu.memory_space<vmem>> -> memref<16x128xf32, #tpu.memory_space<vmem>>
      %dma_wait3A_53 = arith.constant 0 : i32
      %dma_wait3A_54 = arith.constant 0 : i32
      %dma_wait3A_55 = tpu.memref_slice %arg7[%dma_wait3A_53, %dma_wait3A_54] : memref<16416x128xf32, #tpu.memory_space<hbm>> -> memref<16x128xf32, #tpu.memory_space<hbm>>
      %dma_wait3A_56 = arith.constant 0 : i32
      %dma_wait3A_57 = arith.constant 0 : i32
      %dma_wait3A_58 = tpu.memref_slice %arg14[%dma_wait3A_56, %dma_wait3A_57] : memref<128x128xf32, #tpu.memory_space<vmem>> -> memref<16x128xf32, #tpu.memory_space<vmem>>
      %dma_wait3A_59 = arith.constant 0 : i32
      %dma_wait3A_60 = arith.constant 0 : i32
      %dma_wait3A_61 = tpu.memref_slice %arg7[%dma_wait3A_59, %dma_wait3A_60] : memref<16416x128xf32, #tpu.memory_space<hbm>> -> memref<16x128xf32, #tpu.memory_space<hbm>>
      tpu.wait_dma2 semaphore(%arg17 : memref<!tpu.dma_semaphore, #tpu.memory_space<semaphore_mem>>) src(%dma_wait3A_61 : memref<16x128xf32, #tpu.memory_space<hbm>>) dst(%dma_wait3A_58 : memref<16x128xf32, #tpu.memory_space<vmem>>)
    }
    return
  }
}

</mosaic_0001>

<sc_bundles>
// kernel: gather_offload_async_start.1
scs
__scs_entry_jumppad:
0x0: {  	(pc) =	sbr.rel $0x88, $3  }
0x1: {  	(tag) =	ssettag $0x0;
	lr =	simm.s32 $0x1  }
0x2: {  	[smem:$0x3F9F] =	sst lr;
	_ =	strace $0xD0000000  }
0x3: {  	_ = 	snop  }
0x4: {  	_ = 	snop  }
0x5: {  	_ = 	snop  }
0x6: {  	_ = 	snop  }
0x7: {  	_ = 	snop  }
__scs_overlays_trampoline_lowered:
0x8: {  	[smem:$0x3FAE] =	sst s0  }
0x9: {  	[smem:$0x3FAF] =	sst s1  }
0xa: {  	[smem:$0x3FB0] =	sst s2  }
0xb: {  	[smem:$0x3FB1] =	sst s3  }
0xc: {  	[smem:$0x3FB2] =	sst s4  }
0xd: {  	[smem:$0x3FB3] =	sst s5  }
0xe: {  	[smem:$0x3FB4] =	sst s6  }
0xf: {  	[smem:$0x3FB5] =	sst s7  }
0x10: {  	[smem:$0x3FB6] =	sst s8  }
0x11: {  	[smem:$0x3FB7] =	sst s9;
	s0 =	simm.s32 @!p0 $0x0  }
0x12: {  	s1 =	sld [smem:$0x3F9D];
	s0 =	simm.s32 @p0 $0x1  }
0x13: {  	[smem:$0x3FB8] =	sst s0;
	s0 =	simm.s32 @!p1 $0x0  }
0x14: {  	s2 =	sld [smem:$0x3F9C];
	s0 =	simm.s32 @p1 $0x1  }
0x15: {  	[smem:$0x3FB9] =	sst s0;
	s0 =	simm.s32 @!p2 $0x0  }
0x16: {  	s3 =	sld [smem:$0x3FDB];
	s0 =	simm.s32 @p2 $0x1  }
0x17: {  	s4 =	simm.s32 $0x1BF5;
	[smem:$0x3FBB] =	sst s0  }
0x18: {  	s0 =	sld [smem:$0x3F9E];
	_ =	swait.ge [sflag:s4], $0x0  }
0x19: {  	s7 =	sld [smem:$0x3F9F]  }
0x1a: {  	s8 =	sadd.s32 $0xFFFFE003, lr  }
0x1b: {  	s9 =	sadd.s32 $0xFFFFFEF7, lr;
	s5 =	simm.s32 $0xFFFFFFFF;
	p2 =	slt.u32 s8, $0xFFFFF086  }
0x1c: {  	p1 =	slt.u32 s9, $0xF7A;
	s5 =	simm.s32 @!p2 $0x0  }
0x1d: {  	s5 =	simm.s32 @p1 $0x1;
	p0 =	seq.s32 s7, s2  }
0x1e: {  	s7 =	smul.u32 @!p0 $0xF7A, s2;
	p2 =	seq.s32 @!p0 s5, $0x0  }
0x1f: {  	s9 =	smul.u32 $0xF7A, s1;
	s8 =	simm.s32 @!p0 $0x1BF5;
	p2 =	por !p2, p0  }
0x20: {  	[sflag:s8] =	ssyncset.s32 @!p0 $0xFFFFF086;
	s6 =	sadd.s32 @!p0 s3, s7;
	s7 =	simm.s32 @!p0 $0x108  }
0x21: {  	s3 =	sadd.s32 s3, s9;
	s6 =	sadd.s32 @!p0 $0x88, s6;
	s7 =	simm.s32 @p2 $0x1082  }
0x22: {  	[simem:s7], [sflag:s8] =	dma.local @!p0 [hbm:s6], $0xF7A  }
0x23: {  	s9 =	sor.u32 $0xD0000000, s2;
	s6 =	simm.s32 $0x108;
	_ =	swait.ge @!p0 [sflag:s8], $0x0  }
0x24: {  	s3 =	sadd.s32 $0x88, s3;
	s6 =	simm.s32 @!p1 $0x1082;
	[sflag:s4] =	ssyncset.s32 $0xFFFFF086  }
0x25: {  	[simem:s6], [sflag:s4] =	dma.local [hbm:s3], $0xF7A  }
0x26: {  	[smem:$0x3F9F] =	sst s1;
	(tag) =	ssettag s2;
	_ =	strace s9  }
0x27: {  	s1 =	sld [smem:$0x3FAF]  }
0x28: {  	s2 =	sld [smem:$0x3FB0]  }
0x29: {  	s4 =	sld [smem:$0x3FB2]  }
0x2a: {  	p0 =	seq.s32 s5, $0x0;
	s5 =	sld [smem:$0x3FB3]  }
0x2b: {  	s6 =	sld [smem:$0x3FB4]  }
0x2c: {  	s7 =	sld [smem:$0x3FB5]  }
0x2d: {  	s3 =	simm.s32 $0x108;
	s8 =	sld [smem:$0x3FB6]  }
0x2e: {  	s3 =	simm.s32 @!p0 $0x1082;
	s9 =	sld [smem:$0x3FB7]  }
0x2f: {  	lr =	sadd.s32 s0, s3;
	s0 =	sld [smem:$0x3FAE]  }
0x30: {  	s3 =	sld [smem:$0x3FB1]  }
0x31: {  	[smem:$0x3FBA] =	sst s10  }
0x32: {  	s10 =	sld [smem:$0x3FB8];
	_ =	sdelay $0x3  }
0x33: {  	p0 =	seq.s32 s10, $0x1;
	s10 =	sld [smem:$0x3FBA];
	_ =	sdelay $0x3  }
0x34: {  	[smem:$0x3FBA] =	sst s10  }
0x35: {  	s10 =	sld [smem:$0x3FB9];
	_ =	sdelay $0x3  }
0x36: {  	p1 =	seq.s32 s10, $0x1;
	s10 =	sld [smem:$0x3FBA];
	_ =	sdelay $0x3  }
0x37: {  	[smem:$0x3FBA] =	sst s10  }
0x38: {  	s10 =	sld [smem:$0x3FBB]  }
0x39: {  	_ = 	snop;
	(pc) =	sbr.ind lr, $3  }
0x3a: {  	_ = 	snop  }
0x3b: {  	_ = 	snop  }
0x3c: {  	p2 =	seq.s32 s10, $0x1;
	s10 =	sld [smem:$0x3FBA]  }
0x3d: {  	_ =	shalt  }
0x3e: {  	_ =	shalt  }
0x3f: {  	_ =	shalt  }
0x40: {  	_ =	shalt  }
0x41: {  	_ =	shalt  }
0x42: {  	_ =	shalt  }
0x43: {  	_ =	shalt  }
0x44: {  	_ =	shalt  }
0x45: {  	_ =	shalt  }
0x46: {  	_ =	shalt  }
0x47: {  	_ =	shalt  }
0x48: {  	_ =	shalt  }
0x49: {  	_ =	shalt  }
0x4a: {  	_ =	shalt  }
0x4b: {  	_ =	shalt  }
0x4c: {  	_ =	shalt  }
0x4d: {  	_ =	shalt  }
0x4e: {  	_ =	shalt  }
0x4f: {  	_ =	shalt  }
0x50: {  	_ =	shalt  }
0x51: {  	_ =	shalt  }
0x52: {  	_ =	shalt  }
0x53: {  	_ =	shalt  }
0x54: {  	_ =	shalt  }
0x55: {  	_ =	shalt  }
0x56: {  	_ =	shalt  }
0x57: {  	_ =	shalt  }
0x58: {  	_ =	shalt  }
0x59: {  	_ =	shalt  }
0x5a: {  	_ =	shalt  }
0x5b: {  	_ =	shalt  }
0x5c: {  	_ =	shalt  }
0x5d: {  	_ =	shalt  }
0x5e: {  	_ =	shalt  }
0x5f: {  	_ =	shalt  }
0x60: {  	_ =	shalt  }
0x61: {  	_ =	shalt  }
0x62: {  	_ =	shalt  }
0x63: {  	_ =	shalt  }
0x64: {  	_ =	shalt  }
0x65: {  	_ =	shalt  }
0x66: {  	_ =	shalt  }
0x67: {  	_ =	shalt  }
0x68: {  	_ =	shalt  }
0x69: {  	_ =	shalt  }
0x6a: {  	_ =	shalt  }
0x6b: {  	_ =	shalt  }
0x6c: {  	_ =	shalt  }
0x6d: {  	_ =	shalt  }
0x6e: {  	_ =	shalt  }
0x6f: {  	_ =	shalt  }
0x70: {  	_ =	shalt  }
0x71: {  	_ =	shalt  }
0x72: {  	_ =	shalt  }
0x73: {  	_ =	shalt  }
0x74: {  	_ =	shalt  }
0x75: {  	_ =	shalt  }
0x76: {  	_ =	shalt  }
0x77: {  	_ =	shalt  }
0x78: {  	_ =	shalt  }
0x79: {  	_ =	shalt  }
0x7a: {  	_ =	shalt  }
0x7b: {  	_ =	shalt  }
0x7c: {  	_ =	shalt  }
0x7d: {  	_ =	shalt  }
0x7e: {  	_ =	shalt  }
0x7f: {  	_ =	shalt  }
0x80: {  	_ =	shalt  }
0x81: {  	_ =	shalt  }
0x82: {  	_ =	shalt  }
0x83: {  	_ =	shalt  }
0x84: {  	_ =	shalt  }
0x85: {  	_ =	shalt  }
0x86: {  	_ =	shalt  }
0x87: {  	_ =	shalt  }
.Lfunc_end0:
.L_simem_size_0:
called_computation.1_lowered:
.L_overlay_start_0:
0x88: {  	s2 =	sld [smem:$0x3FD9]  }
0x89: {  	s3 =	sld [smem:$0x3FFE];
	_ =	sdelay $0x1  }
0x8a: {  	s1 =	srdreg.scid  }
0x8b: {  	s0 =	sand.u32 $0x1, s1  }
0x8c: {  	s17 =	sshll.u32 s0, $0xA;
	s2 =	sadd.s32 s3, s2  }
0x8d: {  	s2 =	sadd.s32 s2, s17  }
0x8e: {  	[smem:$0x3FC6] =	sst s2  }
0x8f: {  	_ = 	snop  }
0x90: {  	s2 =	sld [smem:$0x3FC9]  }
0x91: {  	s18 =	sld [smem:$0x3FD0];
	(tm) =	ssettm $0x1  }
0x92: {  	s4 =	sld [smem:$0x3FFB];
	_ =	sdelay $0x3  }
0x93: {  	_ =	strace s4  }
0x94: {  	s4 =	sld [smem:$0x3FFC];
	_ =	sdelay $0x3  }
0x95: {  	_ =	strace s4  }
0x96: {  	s4 =	sld [smem:$0x3FFD];
	_ =	sdelay $0x3  }
0x97: {  	_ =	strace s4  }
0x98: {  	_ =	strace $0x8FFFFFFF  }
0x99: {  	s19 =	sld [smem:$0x3FDB];
	_ =	sdelay $0x1  }
0x9a: {  	s5 =	simm.s32 $_scs_section_size  }
0x9b: {  	s6 =	simm.s32 $_size__tile_overlayer_lowered;
	s7 =	simm.s32 $_tile_overlayer_lowered  }
0x9c: {  	s22 =	simm.s32 $0x1BFF;
	s21 =	sshll.u32 s7, $0x1;
	s4 =	sadd.s32 s5, s19  }
0x9d: {  	s8 =	simm.s32 $0x0;
	s20 =	sshll.u32 s6, $0x1;
	s6 =	sadd.s32 s21, s4  }
0x9e: {  	[timem:s8], [sflag:s22] =	dma.local [hbm:s6], s20  }
0x9f: {  	_ =	swait.ge [sflag:s22], s20  }
0xa0: {  	s5 =	ssub.s32 $0x0, s20;
	[sflag:s22] =	ssyncset.done $0x0  }
0xa1: {  	[sflag:s22] =	ssyncadd.s32 s5;
	_ =	sdelay $0x1  }
0xa2: {  	s23 =	simm.s32 $0x1B8B  }
0xa3: {  	_ =	swait.ge [sflag:s23], $0x1  }
0xa4: {  	[sflag:s23] =	ssyncset.done $0x0  }
0xa5: {  	s25 =	simm.s32 $0x1B8E;
	s24 =	sld [smem:$0x3FFE];
	[sflag:s23] =	ssyncadd.s32 $0xFFFFFFFF  }
0xa6: {  	s26 =	simm.s32 $execute0_lowered;
	[smem:$0x3FD2] =	sst s25  }
0xa7: {  	s6 =	sshll.u32 s26, $0x1;
	_ =	strace $0x80000046;
	[dreg:$0x1] =	wrdreg $0xFFFFFFFF  }
0xa8: {  	s28 =	simm.s32 $_size_execute0_lowered;
	s4 =	sadd.s32 s4, s6;
	[dreg:$0x0] =	wrdreg $0x0  }
0xa9: {  	s6 =	sshll.u32 s28, $0x1;
	[dreg:$0x2] =	wrdreg s4  }
0xaa: {  	[dreg:$0x3] =	wrdreg s6  }
0xab: {  	[dreg:$0x4] =	wrdreg $0xC0  }
0xac: {  	_ =	task [dreg:s8], $0x5FFFF  }
0xad: {  	[dreg:$0x1] =	wrdreg $0xFFFFFFFF  }
0xae: {  	[dreg:$0x0] =	wrdreg $0x60  }
0xaf: {  	[dreg:$0x2] =	wrdreg s2  }
0xb0: {  	[dreg:$0x3] =	wrdreg s18  }
0xb1: {  	[dreg:$0x4] =	wrdreg s24  }
0xb2: {  	[dreg:$0x5] =	wrdreg $0x9  }
0xb3: {  	_ =	task.clear_ibuf [dreg:s8], $0x6FFFF;
	_ =	strace $0x90000046  }
0xb4: {  	s29 =	simm.s32 $0x9;
	_ =	strace $0x80000048  }
0xb5: {  	_ =	swait.ge [sflag:s29], $0x1  }
0xb6: {  	[sflag:s29] =	ssyncadd.s32 $0xFFFFFFFF  }
0xb7: {  	_ =	strace $0x90000048  }
0xb8: {  	_ =	sfence  }
0xb9: {  	s30 =	sld [smem:$0x0];
	_ =	sdelay $0x2  }
0xba: {  	s31 =	sshll.u32 s1, $0xD;
	s1 =	sshrl.u32 s1, $0x2  }
0xbb: {  	s3 =	sand.u32 $0x4000, s31;
	s1 =	sadd.s32 s1, s30  }
0xbc: {  	s0 =	sor.u32 s3, s0;
	s1 =	sshll.u32 s1, $0x11  }
0xbd: {  	s0 =	sor.u32 s1, s0  }
0xbe: {  	s0 =	sadd.s32 $0x8F2B, s0  }
0xbf: {  	[sflag:s0] =	ssyncadd.remote.s32 $0x1  }
0xc0: {  	_ =	sfence.sel $0xFFFF  }
0xc1: {  	[dreg:$0x0] =	wrdreg $0xFFFFFFFF;
	(pc) =	sbr.abs _section_cstart, $3  }
0xc2: {  	[dreg:$0x1] =	wrdreg $0xFFFFFFFF  }
0xc3: {  	_ =	task.clear_ibuf [dreg:s8], $0x2FFFF;
	_ =	strace $0x9FFFFFFF  }
0xc4: {  	(tm) =	ssettm $0x7FFFFFFF  }
0xc5: {  	_ =	shalt  }
tec
execute0_lowered:
.L_overlay_start_1:
0x0: {  	(tag) =	ssettag $0x1  }
0x1: {  	s2 =	rddreg [dreg:$0x0]  }
0x2: {  	s1 =	srdreg.scid;
	s3 =	rddreg [dreg:$0x1]  }
0x3: {  	s0 =	stileid.u32;
	s5 =	rddreg [dreg:$0x2]  }
0x4: {  	s9 =	simm.s32 $0x1;
	s10 =	simm.s32 $0x3;
	s1 =	sshll.u32 s1, $0x8  }
0x5: {  	s13 =	simm.s32 $0x0;
	s4 =	sshll.u32 s0, $0x9;
	s6 =	sand.u32 $0x100, s1  }
0x6: {  	s12 =	simm.s32 $0x0;
	s5 =	sadd.s32 $0x2400, s5;
	s4 =	sor.u32 s4, s6  }
0x7: {  	s1 =	rddreg [dreg:$0x3];
	_ =	strace $0x80000047;
	s8 =	ssub.s32 $0x4000, s4  }
.Ltmp0:
0x8: {  	s6 =	simm.s32 $0x1;
	s7 =	sand.u32 $0x1F00, s8;
	(pc) =	sbr.rel .LBB2_1-.Ltmp0, $4  }
0x9: {  	[sflag:s6] =	ssyncpa.u1 $0x0;
	s11 =	smov.u32 s4;
	p0 =	sne.s32 s7, $0x0  }
0xa: {  	s8 =	sshrl.u32 s8, $0xD;
	s7 =	simm.s32 $0x2;
	s9 =	simm.s32 @!p0 $0x0  }
0xb: {  	[sflag:s7] =	ssyncpa.u1 $0x0;
	p0 =	por $0x0, $0x0;
	s8 =	sadd.s32 s9, s8  }
0xc: {  	vm0 =	vmmov $0xffff;
	[sflag:s10] =	ssyncpa.u1 $0x0;
	s10 =	simm.s32 $0x0;
	s9 =	sadd.s32 $0x1, s8  }
.LBB2_4:
0xd: {  	v2 =	vnsel vm1, $0x0, v2  }
0xe: {  	vm1 =	vgt.s32 v0, $0x0;
	v2 =	vmin.u32 v2, $0x3FFF  }
0xf: {  	v0 =	vnsel vm1, $0x0, v0  }
0x10: {  	v0 =	vmin.u32 v0, $0x3FFF  }
0x11: {  	[tilespmem:s15], [sflag:$0x1] =	stream.indirect_vreg.gather [hbm4b:s2+s10], $0x1, v1, vm0, $0x4038;
	[tilespmem:$0x400] =	vst v63  }
0x12: {  	(ifvalue) =	ssetifvalue $0x7FFFFFFF  }
0x13: {  	[tilespmem:s16], [sflag:$0x1] =	stream.indirect_vreg.gather [hbm4b:s2+s10], $0x1, v2, vm0, $0x4038;
	[tilespmem:$0x400] =	vst v63  }
0x14: {  	s29 =	sadd.s32 $0x10, s16;
	(ifvalue) =	ssetifvalue $0x7FFFFFFF  }
0x15: {  	[tilespmem:s29], [sflag:$0x1] =	stream.indirect_vreg.gather [hbm4b:s2+s10], $0x1, v0, vm0, $0x4038;
	[tilespmem:$0x400] =	vst v63  }
0x16: {  	_ =	swait.ge [sflag:s6], $0x100  }
0x17: {  	s30 =	sshrl.u32 s13, $0x3;
	[sflag:s6] =	ssyncset.done $0x0  }
0x18: {  	s31 =	sand.u32 $0x7, s13;
	s15 =	sadd.s32 s5, s30;
	[sflag:s6] =	ssyncadd.s32 $0xFFFFFF00  }
0x19: {  	[hbm4b:s15+s31] =	stream.linear.scatter [tilespmem:s14], [sflag:$0x3], $0x100, $0x38;
	[tilespmem:$0x400] =	vst v63  }
.LBB2_5:
0x1a: {  	s15 =	sadd.s32 $0x2000, s11  }
0x1b: {  	p2 =	sgt.s32 s15, $0x3FFF  }
0x1c: {  	s15 =	smov.u32 @p2 s4;
	p2 =	sne.s32 s12, s9  }
.Ltmp1:
0x1d: {  	p1 =	slt.u32 s12, $0x2;
	(pc) =	sbr.rel @!p2 .LBB2_6-.Ltmp1, $4  }
0x1e: {  	s14 =	simm.s32 @!p1 $0x3  }
0x1f: {  	s16 =	sadd.s32 $0x1, s12;
	_ =	swait.ge @!p1 [sflag:s14], $0x100  }
0x20: {  	s13 =	smov.u32 s11;
	p0 =	por !p0, !p0;
	[sflag:s14] =	ssyncset.done @!p1 $0x0  }
0x21: {  	s12 =	smov.u32 s16;
	s11 =	smov.u32 s15;
	[sflag:s14] =	ssyncadd.s32 @!p1 $0xFFFFFF00  }
.LBB2_1:
0x22: {  	p1 =	sge.u32 s12, s8  }
0x23: {  	s14 =	sxor.u32 @!p1 $0xFFFFFFFF, s12  }
0x24: {  	s31 =	sadd.s32 $0xFFFFFFFF, s12;
	s15 =	sshrl.u32 @!p1 s11, $0x3;
	s14 =	sshll.u32 @!p1 s14, $0x8  }
0x25: {  	s16 =	sand.u32 @!p1 $0x7, s11;
	s15 =	sadd.s32 @!p1 s3, s15;
	s14 =	sand.u32 @!p1 $0x100, s14  }
0x26: {  	[tilespmem:s14], [sflag:$0x2] =	stream.linear.gather @!p1 [hbm4b:s15+s16], $0x100, $0x38;
	[tilespmem:$0x400] =	vst v63  }
0x27: {  	p1 =	sge.u32 s31, s8  }
.Ltmp2:
0x28: {  	_ = 	snop;
	(pc) =	sbr.rel @p1 .LBB2_5-.Ltmp2, $1  }
0x29: {  	_ =	sdelay $0x3  }
0x2a: {  	s14 =	simm.s32 $0x1  }
0x2b: {  	_ =	swait.ge [sflag:s7], $0x100;
	s14 =	simm.s32 @!p0 $0x0  }
0x2c: {  	[sflag:s7] =	ssyncset.done $0x0;
	s14 =	sshll.u32 s14, $0x8  }
0x2d: {  	[sflag:s7] =	ssyncadd.s32 $0xFFFFFF00;
	(ifvalue) =	ssetifvalue $0x7FFFFFFF;
	v0 =	vld.msk [tilespmem:s14+$0x0 ss:$0x1], $0xffff;
	_ =	sdelay $0x4  }
0x2e: {  	s15 =	sadd.s32 $0x10, s14;
	vm1 =	vgt.s32 v0, $0x0  }
0x2f: {  	v2 =	vld.msk [tilespmem:s15+$0x0 ss:$0x1], $0xffff;
	v1 =	vnsel vm1, $0x0, v0  }
0x30: {  	v1 =	vmin.u32 v1, $0x3FFF;
	_ =	sdelay $0x1  }
0x31: {  	s16 =	sshll.u32 s12, $0x8;
	s18 =	simm.s32 $0x20  }
0x32: {  	s16 =	sand.u32 $0x100, s16;
	s17 =	sadd.s32 $0x10, s15;
	s15 =	sor.u32 $0x200, s14  }
0x33: {  	s14 =	sor.u32 $0x200, s16;
	s16 =	sadd.s32 $0x10, s15;
	v0 =	vld.msk [tilespmem:s17+$0x0 ss:$0x1], $0xffff;
	vm1 =	vgt.s32 v2, $0x0;
	(ifvalue) =	ssetifvalue $0x7FFFFFFF  }
.LBB2_3:
0x34: {  	[tilespmem:s15], [sflag:$0x1] =	stream.indirect_vreg.gather [hbm4b:s2+s10], $0x1, v1, vm0, $0x4038;
	[tilespmem:$0x400] =	vst v63  }
0x35: {  	s18 =	sadd.s32 $0x10, s18  }
0x36: {  	v2 =	vnsel vm1, $0x0, v2;
	p1 =	slt.u32 s18, $0xF0  }
.Ltmp3:
0x37: {  	s15 =	smov.u32 s16;
	v1 =	vmin.u32 v2, $0x3FFF;
	(pc) =	sbr.rel @p1 .LBB2_3-.Ltmp3, $3  }
0x38: {  	_ =	sdelay $0x1  }
0x39: {  	s17 =	sadd.s32 $0x10, s17  }
0x3a: {  	vm1 =	vgt.s32 v0, $0x0;
	s16 =	sadd.s32 $0x10, s16;
	v2 =	vmov v0;
	(ifvalue) =	ssetifvalue $0x7FFFFFFF;
	v0 =	vld.msk [tilespmem:s17+$0x0 ss:$0x1], $0xffff  }
.Ltmp4:
0x3b: {  	_ = 	snop;
	(pc) =	sbr.rel .LBB2_4-.Ltmp4, $1  }
0x3c: {  	_ =	sdelay $0x3  }
.LBB2_6:
0x3d: {  	_ =	sfence.sel $0x180000  }
0x3e: {  	s2 =	simm.s32 $0x2;
	[bflag:$0x0] =	sbarrier.arrive $0xFFFF  }
0x3f: {  	s30 =	simm.s32 $0x3;
	[sflag:s2] =	ssyncpa.u1 $0x1  }
0x40: {  	s31 =	simm.s32 $0x1;
	[sflag:s30] =	ssyncpa.u1 $0x1  }
0x41: {  	[sflag:s31] =	ssyncpa.u1 $0x1  }
0x42: {  	p0 =	sne.s32 s0, $0x0;
	_ =	strace $0x90000047  }
0x43: {  	s0 =	sadd.s32 @!p0 $0x100000, s1;
	[bflag:$0x2] =	sbarrier.arrive $0xFFFF  }
0x44: {  	[sflag:s0] =	ssyncadd.tile.s32 @!p0 $0x1;
	_ =	shalt  }
.Lfunc_end2:
_tile_overlayer_lowered:
.L_overlay_start_2:
0x45: {  	(tag) =	ssettag $0x2  }
0x46: {  	s0 =	rddreg [dreg:$0x0];
	s2 =	stileid.u32  }
0x47: {  	s1 =	rddreg [dreg:$0x1];
	p0 =	sne.s32 s2, $0x0  }
0x48: {  	s3 =	rddreg [dreg:$0x2];
	[bflag:$0x3] =	sbarrier.arrive $0xFFFF;
	s2 =	simm.s32 @!p0 $0x1C01  }
0x49: {  	[timem:s3], [sflag:s2] =	dma.local @!p0 [hbm:s0], s1  }
0x4a: {  	s0 =	simm.s32 @!p0 $0x1  }
0x4b: {  	_ =	swait.ge @!p0 [sflag:s0], s1  }
0x4c: {  	s1 =	ssub.s32 @!p0 $0x0, s1;
	[sflag:s0] =	ssyncset.done @!p0 $0x0  }
0x4d: {  	[sflag:s0] =	ssyncadd.s32 @!p0 s1  }
0x4e: {  	[bflag:$0x3] =	sbarrier.arrive $0xFFFF  }
0x4f: {  	_ =	shalt  }

// kernel: gather_offload_async_start.2
scs
__scs_entry_jumppad:
0x0: {  	(pc) =	sbr.rel $0x88, $3  }
0x1: {  	(tag) =	ssettag $0x0;
	lr =	simm.s32 $0x1  }
0x2: {  	[smem:$0x3F9F] =	sst lr;
	_ =	strace $0xD0000000  }
0x3: {  	_ = 	snop  }
0x4: {  	_ = 	snop  }
0x5: {  	_ = 	snop  }
0x6: {  	_ = 	snop  }
0x7: {  	_ = 	snop  }
__scs_overlays_trampoline_lowered:
0x8: {  	[smem:$0x3FAE] =	sst s0  }
0x9: {  	[smem:$0x3FAF] =	sst s1  }
0xa: {  	[smem:$0x3FB0] =	sst s2  }
0xb: {  	[smem:$0x3FB1] =	sst s3  }
0xc: {  	[smem:$0x3FB2] =	sst s4  }
0xd: {  	[smem:$0x3FB3] =	sst s5  }
0xe: {  	[smem:$0x3FB4] =	sst s6  }
0xf: {  	[smem:$0x3FB5] =	sst s7  }
0x10: {  	[smem:$0x3FB6] =	sst s8  }
0x11: {  	[smem:$0x3FB7] =	sst s9;
	s0 =	simm.s32 @!p0 $0x0  }
0x12: {  	s1 =	sld [smem:$0x3F9D];
	s0 =	simm.s32 @p0 $0x1  }
0x13: {  	[smem:$0x3FB8] =	sst s0;
	s0 =	simm.s32 @!p1 $0x0  }
0x14: {  	s2 =	sld [smem:$0x3F9C];
	s0 =	simm.s32 @p1 $0x1  }
0x15: {  	[smem:$0x3FB9] =	sst s0;
	s0 =	simm.s32 @!p2 $0x0  }
0x16: {  	s3 =	sld [smem:$0x3FDB];
	s0 =	simm.s32 @p2 $0x1  }
0x17: {  	s4 =	simm.s32 $0x1BF5;
	[smem:$0x3FBB] =	sst s0  }
0x18: {  	s0 =	sld [smem:$0x3F9E];
	_ =	swait.ge [sflag:s4], $0x0  }
0x19: {  	s7 =	sld [smem:$0x3F9F]  }
0x1a: {  	s8 =	sadd.s32 $0xFFFFE003, lr  }
0x1b: {  	s9 =	sadd.s32 $0xFFFFFEF7, lr;
	s5 =	simm.s32 $0xFFFFFFFF;
	p2 =	slt.u32 s8, $0xFFFFF086  }
0x1c: {  	p1 =	slt.u32 s9, $0xF7A;
	s5 =	simm.s32 @!p2 $0x0  }
0x1d: {  	s5 =	simm.s32 @p1 $0x1;
	p0 =	seq.s32 s7, s2  }
0x1e: {  	s7 =	smul.u32 @!p0 $0xF7A, s2;
	p2 =	seq.s32 @!p0 s5, $0x0  }
0x1f: {  	s9 =	smul.u32 $0xF7A, s1;
	s8 =	simm.s32 @!p0 $0x1BF5;
	p2 =	por !p2, p0  }
0x20: {  	[sflag:s8] =	ssyncset.s32 @!p0 $0xFFFFF086;
	s6 =	sadd.s32 @!p0 s3, s7;
	s7 =	simm.s32 @!p0 $0x108  }
0x21: {  	s3 =	sadd.s32 s3, s9;
	s6 =	sadd.s32 @!p0 $0x88, s6;
	s7 =	simm.s32 @p2 $0x1082  }
0x22: {  	[simem:s7], [sflag:s8] =	dma.local @!p0 [hbm:s6], $0xF7A  }
0x23: {  	s9 =	sor.u32 $0xD0000000, s2;
	s6 =	simm.s32 $0x108;
	_ =	swait.ge @!p0 [sflag:s8], $0x0  }
0x24: {  	s3 =	sadd.s32 $0x88, s3;
	s6 =	simm.s32 @!p1 $0x1082;
	[sflag:s4] =	ssyncset.s32 $0xFFFFF086  }
0x25: {  	[simem:s6], [sflag:s4] =	dma.local [hbm:s3], $0xF7A  }
0x26: {  	[smem:$0x3F9F] =	sst s1;
	(tag) =	ssettag s2;
	_ =	strace s9  }
0x27: {  	s1 =	sld [smem:$0x3FAF]  }
0x28: {  	s2 =	sld [smem:$0x3FB0]  }
0x29: {  	s4 =	sld [smem:$0x3FB2]  }
0x2a: {  	p0 =	seq.s32 s5, $0x0;
	s5 =	sld [smem:$0x3FB3]  }
0x2b: {  	s6 =	sld [smem:$0x3FB4]  }
0x2c: {  	s7 =	sld [smem:$0x3FB5]  }
0x2d: {  	s3 =	simm.s32 $0x108;
	s8 =	sld [smem:$0x3FB6]  }
0x2e: {  	s3 =	simm.s32 @!p0 $0x1082;
	s9 =	sld [smem:$0x3FB7]  }
0x2f: {  	lr =	sadd.s32 s0, s3;
	s0 =	sld [smem:$0x3FAE]  }
0x30: {  	s3 =	sld [smem:$0x3FB1]  }
0x31: {  	[smem:$0x3FBA] =	sst s10  }
0x32: {  	s10 =	sld [smem:$0x3FB8];
	_ =	sdelay $0x3  }
0x33: {  	p0 =	seq.s32 s10, $0x1;
	s10 =	sld [smem:$0x3FBA];
	_ =	sdelay $0x3  }
0x34: {  	[smem:$0x3FBA] =	sst s10  }
0x35: {  	s10 =	sld [smem:$0x3FB9];
	_ =	sdelay $0x3  }
0x36: {  	p1 =	seq.s32 s10, $0x1;
	s10 =	sld [smem:$0x3FBA];
	_ =	sdelay $0x3  }
0x37: {  	[smem:$0x3FBA] =	sst s10  }
0x38: {  	s10 =	sld [smem:$0x3FBB]  }
0x39: {  	_ = 	snop;
	(pc) =	sbr.ind lr, $3  }
0x3a: {  	_ = 	snop  }
0x3b: {  	_ = 	snop  }
0x3c: {  	p2 =	seq.s32 s10, $0x1;
	s10 =	sld [smem:$0x3FBA]  }
0x3d: {  	_ =	shalt  }
0x3e: {  	_ =	shalt  }
0x3f: {  	_ =	shalt  }
0x40: {  	_ =	shalt  }
0x41: {  	_ =	shalt  }
0x42: {  	_ =	shalt  }
0x43: {  	_ =	shalt  }
0x44: {  	_ =	shalt  }
0x45: {  	_ =	shalt  }
0x46: {  	_ =	shalt  }
0x47: {  	_ =	shalt  }
0x48: {  	_ =	shalt  }
0x49: {  	_ =	shalt  }
0x4a: {  	_ =	shalt  }
0x4b: {  	_ =	shalt  }
0x4c: {  	_ =	shalt  }
0x4d: {  	_ =	shalt  }
0x4e: {  	_ =	shalt  }
0x4f: {  	_ =	shalt  }
0x50: {  	_ =	shalt  }
0x51: {  	_ =	shalt  }
0x52: {  	_ =	shalt  }
0x53: {  	_ =	shalt  }
0x54: {  	_ =	shalt  }
0x55: {  	_ =	shalt  }
0x56: {  	_ =	shalt  }
0x57: {  	_ =	shalt  }
0x58: {  	_ =	shalt  }
0x59: {  	_ =	shalt  }
0x5a: {  	_ =	shalt  }
0x5b: {  	_ =	shalt  }
0x5c: {  	_ =	shalt  }
0x5d: {  	_ =	shalt  }
0x5e: {  	_ =	shalt  }
0x5f: {  	_ =	shalt  }
0x60: {  	_ =	shalt  }
0x61: {  	_ =	shalt  }
0x62: {  	_ =	shalt  }
0x63: {  	_ =	shalt  }
0x64: {  	_ =	shalt  }
0x65: {  	_ =	shalt  }
0x66: {  	_ =	shalt  }
0x67: {  	_ =	shalt  }
0x68: {  	_ =	shalt  }
0x69: {  	_ =	shalt  }
0x6a: {  	_ =	shalt  }
0x6b: {  	_ =	shalt  }
0x6c: {  	_ =	shalt  }
0x6d: {  	_ =	shalt  }
0x6e: {  	_ =	shalt  }
0x6f: {  	_ =	shalt  }
0x70: {  	_ =	shalt  }
0x71: {  	_ =	shalt  }
0x72: {  	_ =	shalt  }
0x73: {  	_ =	shalt  }
0x74: {  	_ =	shalt  }
0x75: {  	_ =	shalt  }
0x76: {  	_ =	shalt  }
0x77: {  	_ =	shalt  }
0x78: {  	_ =	shalt  }
0x79: {  	_ =	shalt  }
0x7a: {  	_ =	shalt  }
0x7b: {  	_ =	shalt  }
0x7c: {  	_ =	shalt  }
0x7d: {  	_ =	shalt  }
0x7e: {  	_ =	shalt  }
0x7f: {  	_ =	shalt  }
0x80: {  	_ =	shalt  }
0x81: {  	_ =	shalt  }
0x82: {  	_ =	shalt  }
0x83: {  	_ =	shalt  }
0x84: {  	_ =	shalt  }
0x85: {  	_ =	shalt  }
0x86: {  	_ =	shalt  }
0x87: {  	_ =	shalt  }
.Lfunc_end0:
.L_simem_size_0:
called_computation.2_lowered:
.L_overlay_start_0:
0x88: {  	s2 =	sld [smem:$0x3FD9]  }
0x89: {  	s3 =	sld [smem:$0x3FFE];
	_ =	sdelay $0x1  }
0x8a: {  	s1 =	srdreg.scid  }
0x8b: {  	s0 =	sand.u32 $0x1, s1  }
0x8c: {  	s17 =	sshll.u32 s0, $0xA;
	s2 =	sadd.s32 s3, s2  }
0x8d: {  	s2 =	sadd.s32 s2, s17  }
0x8e: {  	[smem:$0x3FC6] =	sst s2  }
0x8f: {  	_ = 	snop  }
0x90: {  	s2 =	sld [smem:$0x3FD0];
	(tm) =	ssettm $0x1  }
0x91: {  	s18 =	sld [smem:$0x3FFB];
	_ =	sdelay $0x3  }
0x92: {  	_ =	strace s18  }
0x93: {  	s3 =	sld [smem:$0x3FFC];
	_ =	sdelay $0x3  }
0x94: {  	_ =	strace s3  }
0x95: {  	s3 =	sld [smem:$0x3FFD];
	_ =	sdelay $0x3  }
0x96: {  	_ =	strace s3  }
0x97: {  	_ =	strace $0x8FFFFFFF  }
0x98: {  	s19 =	sld [smem:$0x3FDB];
	_ =	sdelay $0x1  }
0x99: {  	s4 =	simm.s32 $_scs_section_size  }
0x9a: {  	s5 =	simm.s32 $_size__tile_overlayer_lowered;
	s6 =	simm.s32 $_tile_overlayer_lowered  }
0x9b: {  	s22 =	simm.s32 $0x1BFF;
	s21 =	sshll.u32 s6, $0x1;
	s3 =	sadd.s32 s4, s19  }
0x9c: {  	s7 =	simm.s32 $0x0;
	s20 =	sshll.u32 s5, $0x1;
	s5 =	sadd.s32 s21, s3  }
0x9d: {  	[timem:s7], [sflag:s22] =	dma.local [hbm:s5], s20  }
0x9e: {  	_ =	swait.ge [sflag:s22], s20  }
0x9f: {  	s4 =	ssub.s32 $0x0, s20;
	[sflag:s22] =	ssyncset.done $0x0  }
0xa0: {  	[sflag:s22] =	ssyncadd.s32 s4;
	_ =	sdelay $0x1  }
0xa1: {  	s23 =	simm.s32 $0x1B8B  }
0xa2: {  	_ =	swait.ge [sflag:s23], $0x1  }
0xa3: {  	[sflag:s23] =	ssyncset.done $0x0  }
0xa4: {  	s25 =	simm.s32 $0x1B8E;
	s24 =	sld [smem:$0x3FFE];
	[sflag:s23] =	ssyncadd.s32 $0xFFFFFFFF  }
0xa5: {  	s26 =	simm.s32 $execute0_lowered;
	[smem:$0x3FD2] =	sst s25  }
0xa6: {  	s5 =	sshll.u32 s26, $0x1;
	_ =	strace $0x80000049;
	[dreg:$0x1] =	wrdreg $0xFFFFFFFF  }
0xa7: {  	s28 =	simm.s32 $_size_execute0_lowered;
	s3 =	sadd.s32 s3, s5;
	[dreg:$0x0] =	wrdreg $0x0  }
0xa8: {  	s5 =	sshll.u32 s28, $0x1;
	[dreg:$0x2] =	wrdreg s3  }
0xa9: {  	[dreg:$0x3] =	wrdreg s5  }
0xaa: {  	[dreg:$0x4] =	wrdreg $0xC0  }
0xab: {  	_ =	task [dreg:s7], $0x5FFFF  }
0xac: {  	[dreg:$0x1] =	wrdreg $0xFFFFFFFF  }
0xad: {  	[dreg:$0x0] =	wrdreg $0x60  }
0xae: {  	[dreg:$0x2] =	wrdreg s24  }
0xaf: {  	[dreg:$0x3] =	wrdreg s2  }
0xb0: {  	[dreg:$0x4] =	wrdreg $0x9  }
0xb1: {  	_ =	task.clear_ibuf [dreg:s7], $0x5FFFF;
	_ =	strace $0x90000049  }
0xb2: {  	s29 =	simm.s32 $0x9;
	_ =	strace $0x8000004B  }
0xb3: {  	_ =	swait.ge [sflag:s29], $0x1  }
0xb4: {  	[sflag:s29] =	ssyncadd.s32 $0xFFFFFFFF  }
0xb5: {  	_ =	strace $0x9000004B  }
0xb6: {  	_ =	sfence  }
0xb7: {  	s30 =	sld [smem:$0x0];
	_ =	sdelay $0x2  }
0xb8: {  	s31 =	sshll.u32 s1, $0xD;
	s1 =	sshrl.u32 s1, $0x2  }
0xb9: {  	s3 =	sand.u32 $0x4000, s31;
	s1 =	sadd.s32 s1, s30  }
0xba: {  	s0 =	sor.u32 s3, s0;
	s1 =	sshll.u32 s1, $0x11  }
0xbb: {  	s0 =	sor.u32 s1, s0  }
0xbc: {  	s0 =	sadd.s32 $0x8F2B, s0  }
0xbd: {  	[sflag:s0] =	ssyncadd.remote.s32 $0x1  }
0xbe: {  	_ =	sfence.sel $0xFFFF  }
0xbf: {  	[dreg:$0x0] =	wrdreg $0xFFFFFFFF;
	(pc) =	sbr.abs _section_cstart, $3  }
0xc0: {  	[dreg:$0x1] =	wrdreg $0xFFFFFFFF  }
0xc1: {  	_ =	task.clear_ibuf [dreg:s7], $0x2FFFF;
	_ =	strace $0x9FFFFFFF  }
0xc2: {  	(tm) =	ssettm $0x7FFFFFFF  }
0xc3: {  	_ =	shalt  }
tec
execute0_lowered:
.L_overlay_start_1:
0x0: {  	(tag) =	ssettag $0x1  }
0x1: {  	s1 =	srdreg.scid;
	s5 =	rddreg [dreg:$0x0]  }
0x2: {  	s0 =	stileid.u32;
	s2 =	rddreg [dreg:$0x1];
	s6 =	simm.s32 $0x1  }
0x3: {  	s9 =	simm.s32 $0x1;
	s10 =	simm.s32 $0x3;
	s1 =	sshll.u32 s1, $0xA  }
0x4: {  	s13 =	simm.s32 $0x0;
	s3 =	sshll.u32 s0, $0xB;
	s4 =	sand.u32 $0x400, s1  }
0x5: {  	s12 =	simm.s32 $0x0;
	s1 =	rddreg [dreg:$0x2];
	s3 =	sor.u32 s3, s4  }
0x6: {  	_ =	strace $0x8000004A;
	s4 =	sadd.s32 $0x5800, s5;
	s8 =	ssub.s32 $0xC000, s3  }
.Ltmp0:
0x7: {  	s5 =	sadd.s32 $0x6800, s5;
	s7 =	sand.u32 $0x7C00, s8;
	(pc) =	sbr.rel .LBB2_1-.Ltmp0, $4  }
0x8: {  	[sflag:s6] =	ssyncpa.u1 $0x0;
	s11 =	smov.u32 s3;
	p0 =	sne.s32 s7, $0x0  }
0x9: {  	s8 =	sshrl.u32 s8, $0xF;
	s7 =	simm.s32 $0x2;
	s9 =	simm.s32 @!p0 $0x0  }
0xa: {  	[sflag:s7] =	ssyncpa.u1 $0x0;
	p0 =	por $0x0, $0x0;
	s8 =	sadd.s32 s9, s8  }
0xb: {  	vm0 =	vmmov $0xffff;
	[sflag:s10] =	ssyncpa.u1 $0x0;
	s10 =	simm.s32 $0x0;
	s9 =	sadd.s32 $0x1, s8  }
.LBB2_4:
0xc: {  	v2 =	vnsel vm1, $0x0, v2  }
0xd: {  	vm1 =	vgt.s32 v0, $0x0;
	v2 =	vmin.u32 v2, $0x7FFF  }
0xe: {  	v0 =	vnsel vm1, $0x0, v0  }
0xf: {  	v0 =	vmin.u32 v0, $0x7FFF  }
0x10: {  	[tilespmem:s15], [sflag:$0x1] =	stream.indirect_vreg.gather [hbm4b:s4+s10], $0x1, v1, vm0, $0x4038;
	[tilespmem:$0x1000] =	vst v63  }
0x11: {  	(ifvalue) =	ssetifvalue $0x7FFFFFFF  }
0x12: {  	[tilespmem:s16], [sflag:$0x1] =	stream.indirect_vreg.gather [hbm4b:s4+s10], $0x1, v2, vm0, $0x4038;
	[tilespmem:$0x1000] =	vst v63  }
0x13: {  	s29 =	sadd.s32 $0x10, s16;
	(ifvalue) =	ssetifvalue $0x7FFFFFFF  }
0x14: {  	[tilespmem:s29], [sflag:$0x1] =	stream.indirect_vreg.gather [hbm4b:s4+s10], $0x1, v0, vm0, $0x4038;
	[tilespmem:$0x1000] =	vst v63  }
0x15: {  	_ =	swait.ge [sflag:s6], $0x400  }
0x16: {  	s30 =	sshrl.u32 s13, $0x3;
	[sflag:s6] =	ssyncset.done $0x0  }
0x17: {  	s31 =	sand.u32 $0x7, s13;
	s15 =	sadd.s32 s5, s30;
	[sflag:s6] =	ssyncadd.s32 $0xFFFFFC00  }
0x18: {  	[hbm4b:s15+s31] =	stream.linear.scatter [tilespmem:s14], [sflag:$0x3], $0x400, $0x38;
	[tilespmem:$0x1000] =	vst v63  }
.LBB2_5:
0x19: {  	s15 =	sadd.s32 $0x8000, s11  }
0x1a: {  	p2 =	sgt.s32 s15, $0xBFFF  }
0x1b: {  	s15 =	smov.u32 @p2 s3;
	p2 =	sne.s32 s12, s9  }
.Ltmp1:
0x1c: {  	p1 =	slt.u32 s12, $0x2;
	(pc) =	sbr.rel @!p2 .LBB2_6-.Ltmp1, $4  }
0x1d: {  	s14 =	simm.s32 @!p1 $0x3  }
0x1e: {  	s16 =	sadd.s32 $0x1, s12;
	_ =	swait.ge @!p1 [sflag:s14], $0x400  }
0x1f: {  	s13 =	smov.u32 s11;
	p0 =	por !p0, !p0;
	[sflag:s14] =	ssyncset.done @!p1 $0x0  }
0x20: {  	s12 =	smov.u32 s16;
	s11 =	smov.u32 s15;
	[sflag:s14] =	ssyncadd.s32 @!p1 $0xFFFFFC00  }
.LBB2_1:
0x21: {  	p1 =	sge.u32 s12, s8  }
0x22: {  	s14 =	sxor.u32 @!p1 $0xFFFFFFFF, s12  }
0x23: {  	s31 =	sadd.s32 $0xFFFFFFFF, s12;
	s15 =	sshrl.u32 @!p1 s11, $0x3;
	s14 =	sshll.u32 @!p1 s14, $0xA  }
0x24: {  	s16 =	sand.u32 @!p1 $0x7, s11;
	s15 =	sadd.s32 @!p1 s2, s15;
	s14 =	sand.u32 @!p1 $0x400, s14  }
0x25: {  	[tilespmem:s14], [sflag:$0x2] =	stream.linear.gather @!p1 [hbm4b:s15+s16], $0x400, $0x38;
	[tilespmem:$0x1000] =	vst v63  }
0x26: {  	p1 =	sge.u32 s31, s8  }
.Ltmp2:
0x27: {  	_ = 	snop;
	(pc) =	sbr.rel @p1 .LBB2_5-.Ltmp2, $1  }
0x28: {  	_ =	sdelay $0x3  }
0x29: {  	s14 =	simm.s32 $0x1  }
0x2a: {  	_ =	swait.ge [sflag:s7], $0x400;
	s14 =	simm.s32 @!p0 $0x0  }
0x2b: {  	[sflag:s7] =	ssyncset.done $0x0;
	s14 =	sshll.u32 s14, $0xA  }
0x2c: {  	[sflag:s7] =	ssyncadd.s32 $0xFFFFFC00;
	(ifvalue) =	ssetifvalue $0x7FFFFFFF;
	v0 =	vld.msk [tilespmem:s14+$0x0 ss:$0x1], $0xffff;
	_ =	sdelay $0x4  }
0x2d: {  	s15 =	sadd.s32 $0x10, s14;
	vm1 =	vgt.s32 v0, $0x0  }
0x2e: {  	v2 =	vld.msk [tilespmem:s15+$0x0 ss:$0x1], $0xffff;
	v1 =	vnsel vm1, $0x0, v0  }
0x2f: {  	v1 =	vmin.u32 v1, $0x7FFF;
	_ =	sdelay $0x1  }
0x30: {  	s16 =	sshll.u32 s12, $0xA;
	s18 =	simm.s32 $0x20  }
0x31: {  	s16 =	sand.u32 $0x400, s16;
	s17 =	sadd.s32 $0x10, s15;
	s15 =	sor.u32 $0x800, s14  }
0x32: {  	s14 =	sor.u32 $0x800, s16;
	s16 =	sadd.s32 $0x10, s15;
	v0 =	vld.msk [tilespmem:s17+$0x0 ss:$0x1], $0xffff;
	vm1 =	vgt.s32 v2, $0x0;
	(ifvalue) =	ssetifvalue $0x7FFFFFFF  }
.LBB2_3:
0x33: {  	[tilespmem:s15], [sflag:$0x1] =	stream.indirect_vreg.gather [hbm4b:s4+s10], $0x1, v1, vm0, $0x4038;
	[tilespmem:$0x1000] =	vst v63  }
0x34: {  	s18 =	sadd.s32 $0x10, s18  }
0x35: {  	v2 =	vnsel vm1, $0x0, v2;
	p1 =	slt.u32 s18, $0x3F0  }
.Ltmp3:
0x36: {  	s15 =	smov.u32 s16;
	v1 =	vmin.u32 v2, $0x7FFF;
	(pc) =	sbr.rel @p1 .LBB2_3-.Ltmp3, $3  }
0x37: {  	_ =	sdelay $0x1  }
0x38: {  	s17 =	sadd.s32 $0x10, s17  }
0x39: {  	vm1 =	vgt.s32 v0, $0x0;
	s16 =	sadd.s32 $0x10, s16;
	v2 =	vmov v0;
	(ifvalue) =	ssetifvalue $0x7FFFFFFF;
	v0 =	vld.msk [tilespmem:s17+$0x0 ss:$0x1], $0xffff  }
.Ltmp4:
0x3a: {  	_ = 	snop;
	(pc) =	sbr.rel .LBB2_4-.Ltmp4, $1  }
0x3b: {  	_ =	sdelay $0x3  }
.LBB2_6:
0x3c: {  	_ =	sfence.sel $0x180000  }
0x3d: {  	s2 =	simm.s32 $0x2;
	[bflag:$0x0] =	sbarrier.arrive $0xFFFF  }
0x3e: {  	s30 =	simm.s32 $0x3;
	[sflag:s2] =	ssyncpa.u1 $0x1  }
0x3f: {  	s31 =	simm.s32 $0x1;
	[sflag:s30] =	ssyncpa.u1 $0x1  }
0x40: {  	[sflag:s31] =	ssyncpa.u1 $0x1  }
0x41: {  	p0 =	sne.s32 s0, $0x0;
	_ =	strace $0x9000004A  }
0x42: {  	s0 =	sadd.s32 @!p0 $0x100000, s1;
	[bflag:$0x2] =	sbarrier.arrive $0xFFFF  }
0x43: {  	[sflag:s0] =	ssyncadd.tile.s32 @!p0 $0x1;
	_ =	shalt  }
.Lfunc_end2:
_tile_overlayer_lowered:
.L_overlay_start_2:
0x44: {  	(tag) =	ssettag $0x2  }
0x45: {  	s0 =	rddreg [dreg:$0x0];
	s2 =	stileid.u32  }
0x46: {  	s1 =	rddreg [dreg:$0x1];
	p0 =	sne.s32 s2, $0x0  }
0x47: {  	s3 =	rddreg [dreg:$0x2];
	[bflag:$0x3] =	sbarrier.arrive $0xFFFF;
	s2 =	simm.s32 @!p0 $0x1C01  }
0x48: {  	[timem:s3], [sflag:s2] =	dma.local @!p0 [hbm:s0], s1  }
0x49: {  	s0 =	simm.s32 @!p0 $0x1  }
0x4a: {  	_ =	swait.ge @!p0 [sflag:s0], s1  }
0x4b: {  	s1 =	ssub.s32 @!p0 $0x0, s1;
	[sflag:s0] =	ssyncset.done @!p0 $0x0  }
0x4c: {  	[sflag:s0] =	ssyncadd.s32 @!p0 s1  }
0x4d: {  	[bflag:$0x3] =	sbarrier.arrive $0xFFFF  }
0x4e: {  	_ =	shalt  }

// kernel: gather_offload_async_start
scs
__scs_entry_jumppad:
0x0: {  	(pc) =	sbr.rel $0x88, $3  }
0x1: {  	(tag) =	ssettag $0x0;
	lr =	simm.s32 $0x1  }
0x2: {  	[smem:$0x3F9F] =	sst lr;
	_ =	strace $0xD0000000  }
0x3: {  	_ = 	snop  }
0x4: {  	_ = 	snop  }
0x5: {  	_ = 	snop  }
0x6: {  	_ = 	snop  }
0x7: {  	_ = 	snop  }
__scs_overlays_trampoline_lowered:
0x8: {  	[smem:$0x3FAE] =	sst s0  }
0x9: {  	[smem:$0x3FAF] =	sst s1  }
0xa: {  	[smem:$0x3FB0] =	sst s2  }
0xb: {  	[smem:$0x3FB1] =	sst s3  }
0xc: {  	[smem:$0x3FB2] =	sst s4  }
0xd: {  	[smem:$0x3FB3] =	sst s5  }
0xe: {  	[smem:$0x3FB4] =	sst s6  }
0xf: {  	[smem:$0x3FB5] =	sst s7  }
0x10: {  	[smem:$0x3FB6] =	sst s8  }
0x11: {  	[smem:$0x3FB7] =	sst s9;
	s0 =	simm.s32 @!p0 $0x0  }
0x12: {  	s1 =	sld [smem:$0x3F9D];
	s0 =	simm.s32 @p0 $0x1  }
0x13: {  	[smem:$0x3FB8] =	sst s0;
	s0 =	simm.s32 @!p1 $0x0  }
0x14: {  	s2 =	sld [smem:$0x3F9C];
	s0 =	simm.s32 @p1 $0x1  }
0x15: {  	[smem:$0x3FB9] =	sst s0;
	s0 =	simm.s32 @!p2 $0x0  }
0x16: {  	s3 =	sld [smem:$0x3FDB];
	s0 =	simm.s32 @p2 $0x1  }
0x17: {  	s4 =	simm.s32 $0x1BF5;
	[smem:$0x3FBB] =	sst s0  }
0x18: {  	s0 =	sld [smem:$0x3F9E];
	_ =	swait.ge [sflag:s4], $0x0  }
0x19: {  	s7 =	sld [smem:$0x3F9F]  }
0x1a: {  	s8 =	sadd.s32 $0xFFFFE003, lr  }
0x1b: {  	s9 =	sadd.s32 $0xFFFFFEF7, lr;
	s5 =	simm.s32 $0xFFFFFFFF;
	p2 =	slt.u32 s8, $0xFFFFF086  }
0x1c: {  	p1 =	slt.u32 s9, $0xF7A;
	s5 =	simm.s32 @!p2 $0x0  }
0x1d: {  	s5 =	simm.s32 @p1 $0x1;
	p0 =	seq.s32 s7, s2  }
0x1e: {  	s7 =	smul.u32 @!p0 $0xF7A, s2;
	p2 =	seq.s32 @!p0 s5, $0x0  }
0x1f: {  	s9 =	smul.u32 $0xF7A, s1;
	s8 =	simm.s32 @!p0 $0x1BF5;
	p2 =	por !p2, p0  }
0x20: {  	[sflag:s8] =	ssyncset.s32 @!p0 $0xFFFFF086;
	s6 =	sadd.s32 @!p0 s3, s7;
	s7 =	simm.s32 @!p0 $0x108  }
0x21: {  	s3 =	sadd.s32 s3, s9;
	s6 =	sadd.s32 @!p0 $0x88, s6;
	s7 =	simm.s32 @p2 $0x1082  }
0x22: {  	[simem:s7], [sflag:s8] =	dma.local @!p0 [hbm:s6], $0xF7A  }
0x23: {  	s9 =	sor.u32 $0xD0000000, s2;
	s6 =	simm.s32 $0x108;
	_ =	swait.ge @!p0 [sflag:s8], $0x0  }
0x24: {  	s3 =	sadd.s32 $0x88, s3;
	s6 =	simm.s32 @!p1 $0x1082;
	[sflag:s4] =	ssyncset.s32 $0xFFFFF086  }
0x25: {  	[simem:s6], [sflag:s4] =	dma.local [hbm:s3], $0xF7A  }
0x26: {  	[smem:$0x3F9F] =	sst s1;
	(tag) =	ssettag s2;
	_ =	strace s9  }
0x27: {  	s1 =	sld [smem:$0x3FAF]  }
0x28: {  	s2 =	sld [smem:$0x3FB0]  }
0x29: {  	s4 =	sld [smem:$0x3FB2]  }
0x2a: {  	p0 =	seq.s32 s5, $0x0;
	s5 =	sld [smem:$0x3FB3]  }
0x2b: {  	s6 =	sld [smem:$0x3FB4]  }
0x2c: {  	s7 =	sld [smem:$0x3FB5]  }
0x2d: {  	s3 =	simm.s32 $0x108;
	s8 =	sld [smem:$0x3FB6]  }
0x2e: {  	s3 =	simm.s32 @!p0 $0x1082;
	s9 =	sld [smem:$0x3FB7]  }
0x2f: {  	lr =	sadd.s32 s0, s3;
	s0 =	sld [smem:$0x3FAE]  }
0x30: {  	s3 =	sld [smem:$0x3FB1]  }
0x31: {  	[smem:$0x3FBA] =	sst s10  }
0x32: {  	s10 =	sld [smem:$0x3FB8];
	_ =	sdelay $0x3  }
0x33: {  	p0 =	seq.s32 s10, $0x1;
	s10 =	sld [smem:$0x3FBA];
	_ =	sdelay $0x3  }
0x34: {  	[smem:$0x3FBA] =	sst s10  }
0x35: {  	s10 =	sld [smem:$0x3FB9];
	_ =	sdelay $0x3  }
0x36: {  	p1 =	seq.s32 s10, $0x1;
	s10 =	sld [smem:$0x3FBA];
	_ =	sdelay $0x3  }
0x37: {  	[smem:$0x3FBA] =	sst s10  }
0x38: {  	s10 =	sld [smem:$0x3FBB]  }
0x39: {  	_ = 	snop;
	(pc) =	sbr.ind lr, $3  }
0x3a: {  	_ = 	snop  }
0x3b: {  	_ = 	snop  }
0x3c: {  	p2 =	seq.s32 s10, $0x1;
	s10 =	sld [smem:$0x3FBA]  }
0x3d: {  	_ =	shalt  }
0x3e: {  	_ =	shalt  }
0x3f: {  	_ =	shalt  }
0x40: {  	_ =	shalt  }
0x41: {  	_ =	shalt  }
0x42: {  	_ =	shalt  }
0x43: {  	_ =	shalt  }
0x44: {  	_ =	shalt  }
0x45: {  	_ =	shalt  }
0x46: {  	_ =	shalt  }
0x47: {  	_ =	shalt  }
0x48: {  	_ =	shalt  }
0x49: {  	_ =	shalt  }
0x4a: {  	_ =	shalt  }
0x4b: {  	_ =	shalt  }
0x4c: {  	_ =	shalt  }
0x4d: {  	_ =	shalt  }
0x4e: {  	_ =	shalt  }
0x4f: {  	_ =	shalt  }
0x50: {  	_ =	shalt  }
0x51: {  	_ =	shalt  }
0x52: {  	_ =	shalt  }
0x53: {  	_ =	shalt  }
0x54: {  	_ =	shalt  }
0x55: {  	_ =	shalt  }
0x56: {  	_ =	shalt  }
0x57: {  	_ =	shalt  }
0x58: {  	_ =	shalt  }
0x59: {  	_ =	shalt  }
0x5a: {  	_ =	shalt  }
0x5b: {  	_ =	shalt  }
0x5c: {  	_ =	shalt  }
0x5d: {  	_ =	shalt  }
0x5e: {  	_ =	shalt  }
0x5f: {  	_ =	shalt  }
0x60: {  	_ =	shalt  }
0x61: {  	_ =	shalt  }
0x62: {  	_ =	shalt  }
0x63: {  	_ =	shalt  }
0x64: {  	_ =	shalt  }
0x65: {  	_ =	shalt  }
0x66: {  	_ =	shalt  }
0x67: {  	_ =	shalt  }
0x68: {  	_ =	shalt  }
0x69: {  	_ =	shalt  }
0x6a: {  	_ =	shalt  }
0x6b: {  	_ =	shalt  }
0x6c: {  	_ =	shalt  }
0x6d: {  	_ =	shalt  }
0x6e: {  	_ =	shalt  }
0x6f: {  	_ =	shalt  }
0x70: {  	_ =	shalt  }
0x71: {  	_ =	shalt  }
0x72: {  	_ =	shalt  }
0x73: {  	_ =	shalt  }
0x74: {  	_ =	shalt  }
0x75: {  	_ =	shalt  }
0x76: {  	_ =	shalt  }
0x77: {  	_ =	shalt  }
0x78: {  	_ =	shalt  }
0x79: {  	_ =	shalt  }
0x7a: {  	_ =	shalt  }
0x7b: {  	_ =	shalt  }
0x7c: {  	_ =	shalt  }
0x7d: {  	_ =	shalt  }
0x7e: {  	_ =	shalt  }
0x7f: {  	_ =	shalt  }
0x80: {  	_ =	shalt  }
0x81: {  	_ =	shalt  }
0x82: {  	_ =	shalt  }
0x83: {  	_ =	shalt  }
0x84: {  	_ =	shalt  }
0x85: {  	_ =	shalt  }
0x86: {  	_ =	shalt  }
0x87: {  	_ =	shalt  }
.Lfunc_end0:
.L_simem_size_0:
called_computation_lowered:
.L_overlay_start_0:
0x88: {  	s2 =	sld [smem:$0x3FD9]  }
0x89: {  	s3 =	sld [smem:$0x3FFE];
	_ =	sdelay $0x1  }
0x8a: {  	s1 =	srdreg.scid  }
0x8b: {  	s0 =	sand.u32 $0x1, s1  }
0x8c: {  	s17 =	sshll.u32 s0, $0xA;
	s2 =	sadd.s32 s3, s2  }
0x8d: {  	s2 =	sadd.s32 s2, s17  }
0x8e: {  	[smem:$0x3FC6] =	sst s2  }
0x8f: {  	_ = 	snop  }
0x90: {  	s2 =	sld [smem:$0x3FD0];
	(tm) =	ssettm $0x1  }
0x91: {  	s18 =	sld [smem:$0x3FFB];
	_ =	sdelay $0x3  }
0x92: {  	_ =	strace s18  }
0x93: {  	s3 =	sld [smem:$0x3FFC];
	_ =	sdelay $0x3  }
0x94: {  	_ =	strace s3  }
0x95: {  	s3 =	sld [smem:$0x3FFD];
	_ =	sdelay $0x3  }
0x96: {  	_ =	strace s3  }
0x97: {  	_ =	strace $0x8FFFFFFF  }
0x98: {  	s19 =	sld [smem:$0x3FDB];
	_ =	sdelay $0x1  }
0x99: {  	s4 =	simm.s32 $_scs_section_size  }
0x9a: {  	s5 =	simm.s32 $_size__tile_overlayer_lowered;
	s6 =	simm.s32 $_tile_overlayer_lowered  }
0x9b: {  	s22 =	simm.s32 $0x1BFF;
	s21 =	sshll.u32 s6, $0x1;
	s3 =	sadd.s32 s4, s19  }
0x9c: {  	s7 =	simm.s32 $0x0;
	s20 =	sshll.u32 s5, $0x1;
	s5 =	sadd.s32 s21, s3  }
0x9d: {  	[timem:s7], [sflag:s22] =	dma.local [hbm:s5], s20  }
0x9e: {  	_ =	swait.ge [sflag:s22], s20  }
0x9f: {  	s4 =	ssub.s32 $0x0, s20;
	[sflag:s22] =	ssyncset.done $0x0  }
0xa0: {  	[sflag:s22] =	ssyncadd.s32 s4;
	_ =	sdelay $0x1  }
0xa1: {  	s23 =	simm.s32 $0x1B8B  }
0xa2: {  	_ =	swait.ge [sflag:s23], $0x1  }
0xa3: {  	[sflag:s23] =	ssyncset.done $0x0  }
0xa4: {  	s25 =	simm.s32 $0x1B8E;
	s24 =	sld [smem:$0x3FFE];
	[sflag:s23] =	ssyncadd.s32 $0xFFFFFFFF  }
0xa5: {  	s26 =	simm.s32 $execute0_lowered;
	[smem:$0x3FD2] =	sst s25  }
0xa6: {  	s5 =	sshll.u32 s26, $0x1;
	_ =	strace $0x8000004F;
	[dreg:$0x1] =	wrdreg $0xFFFFFFFF  }
0xa7: {  	s28 =	simm.s32 $_size_execute0_lowered;
	s3 =	sadd.s32 s3, s5;
	[dreg:$0x0] =	wrdreg $0x0  }
0xa8: {  	s5 =	sshll.u32 s28, $0x1;
	[dreg:$0x2] =	wrdreg s3  }
0xa9: {  	[dreg:$0x3] =	wrdreg s5  }
0xaa: {  	[dreg:$0x4] =	wrdreg $0xC0  }
0xab: {  	_ =	task [dreg:s7], $0x5FFFF  }
0xac: {  	[dreg:$0x1] =	wrdreg $0xFFFFFFFF  }
0xad: {  	[dreg:$0x0] =	wrdreg $0x60  }
0xae: {  	[dreg:$0x2] =	wrdreg s24  }
0xaf: {  	[dreg:$0x3] =	wrdreg s2  }
0xb0: {  	[dreg:$0x4] =	wrdreg $0x9  }
0xb1: {  	_ =	task.clear_ibuf [dreg:s7], $0x5FFFF;
	_ =	strace $0x9000004F  }
0xb2: {  	s29 =	simm.s32 $0x9;
	_ =	strace $0x80000051  }
0xb3: {  	_ =	swait.ge [sflag:s29], $0x1  }
0xb4: {  	[sflag:s29] =	ssyncadd.s32 $0xFFFFFFFF  }
0xb5: {  	_ =	strace $0x90000051  }
0xb6: {  	_ =	sfence  }
0xb7: {  	s30 =	sld [smem:$0x0];
	_ =	sdelay $0x2  }
0xb8: {  	s31 =	sshll.u32 s1, $0xD;
	s1 =	sshrl.u32 s1, $0x2  }
0xb9: {  	s3 =	sand.u32 $0x4000, s31;
	s1 =	sadd.s32 s1, s30  }
0xba: {  	s0 =	sor.u32 s3, s0;
	s1 =	sshll.u32 s1, $0x11  }
0xbb: {  	s0 =	sor.u32 s1, s0  }
0xbc: {  	s0 =	sadd.s32 $0x8F2B, s0  }
0xbd: {  	[sflag:s0] =	ssyncadd.remote.s32 $0x1  }
0xbe: {  	_ =	sfence.sel $0xFFFF  }
0xbf: {  	[dreg:$0x0] =	wrdreg $0xFFFFFFFF;
	(pc) =	sbr.abs _section_cstart, $3  }
0xc0: {  	[dreg:$0x1] =	wrdreg $0xFFFFFFFF  }
0xc1: {  	_ =	task.clear_ibuf [dreg:s7], $0x2FFFF;
	_ =	strace $0x9FFFFFFF  }
0xc2: {  	(tm) =	ssettm $0x7FFFFFFF  }
0xc3: {  	_ =	shalt  }
tec
execute0_lowered:
.L_overlay_start_1:
0x0: {  	(tag) =	ssettag $0x1  }
0x1: {  	s1 =	srdreg.scid;
	s6 =	rddreg [dreg:$0x0]  }
0x2: {  	s0 =	stileid.u32;
	s2 =	rddreg [dreg:$0x1];
	s1 =	sshll.u32 s1, $0x5  }
0x3: {  	s7 =	simm.s32 $0x1;
	s3 =	sshll.u32 s0, $0x6;
	s1 =	sand.u32 $0x20, s1  }
0x4: {  	s30 =	simm.s32 $0x2;
	s31 =	simm.s32 $0x3;
	s3 =	sor.u32 s3, s1  }
0x5: {  	s11 =	simm.s32 $0x0;
	s9 =	simm.s32 $0x0;
	s5 =	ssub.s32 $0x7C0, s3  }
0x6: {  	s4 =	sadd.s32 $0x2400, s6;
	s6 =	sadd.s32 $0x3000, s6;
	s8 =	sand.u32 $0x3E0, s5  }
0x7: {  	s1 =	rddreg [dreg:$0x2];
	_ =	strace $0x80000050;
	p0 =	sne.s32 s8, $0x0  }
0x8: {  	[sflag:s7] =	ssyncpa.u1 $0x0;
	s5 =	sshrl.u32 s5, $0xA;
	s7 =	simm.s32 @!p0 $0x0  }
0x9: {  	s10 =	smov.u32 s3;
	[sflag:s30] =	ssyncpa.u1 $0x0;
	s5 =	sadd.s32 s7, s5  }
0xa: {  	[sflag:s31] =	ssyncpa.u1 $0x0;
	s8 =	simm.s32 $0x0;
	s7 =	sadd.s32 $0x1, s5  }
.LBB2_1:
0xb: {  	p0 =	sge.u32 s9, s5  }
0xc: {  	s31 =	sadd.s32 $0xFFFFFFFF, s9;
	s12 =	sxor.u32 @!p0 $0xFFFFFFFF, s8;
	s13 =	sshrl.u32 @!p0 s10, $0x3  }
0xd: {  	s14 =	sand.u32 @!p0 $0x7, s10;
	s12 =	sand.u32 @!p0 $0x20, s12;
	s13 =	sadd.s32 @!p0 s2, s13  }
0xe: {  	[tilespmem:s12], [sflag:$0x2] =	stream.linear.gather @!p0 [hbm4b:s13+s14], $0x20, $0x38;
	[tilespmem:$0x80] =	vst v63  }
0xf: {  	p0 =	sge.u32 s31, s5  }
0x10: {  	s12 =	simm.s32 @!p0 $0x2  }
0x11: {  	_ =	swait.ge @!p0 [sflag:s12], $0x20  }
0x12: {  	[sflag:s12] =	ssyncset.done @!p0 $0x0  }
0x13: {  	[sflag:s12] =	ssyncadd.s32 @!p0 $0xFFFFFFE0;
	s12 =	sand.u32 @!p0 $0x20, s8  }
0x14: {  	(ifvalue) =	ssetifvalue @!p0 $0x7FFFFFFF;
	v0 =	vld.msk @!p0 [tilespmem:s12+$0x0 ss:$0x1], $0xffff;
	_ =	sdelay $0x4  }
0x15: {  	vm0 =	vgt.s32 @!p0 v0, $0x0  }
0x16: {  	v0 =	vnsel @!p0 vm0, $0x0, v0  }
0x17: {  	v0 =	vmin.u32 @!p0 v0, $0x3FFF;
	_ =	sdelay $0x2  }
0x18: {  	s14 =	simm.s32 @!p0 $0x0  }
0x19: {  	s13 =	sor.u32 @!p0 $0x40, s12;
	(ifvalue) =	ssetifvalue @!p0 $0x7FFFFFFF;
	s15 =	sor.u32 @!p0 $0x10, s12;
	vm0 =	vmmov @!p0 $0xffff  }
0x1a: {  	[tilespmem:s13], [sflag:$0x1] =	stream.indirect_vreg.gather @!p0 [hbm4b:s4+s14], $0x1, v0, vm0, $0x4038;
	[tilespmem:$0x80] =	vst v63  }
0x1b: {  	v0 =	vld.msk @!p0 [tilespmem:s15+$0x0 ss:$0x1], $0xffff;
	_ =	sdelay $0x4  }
0x1c: {  	vm1 =	vgt.s32 @!p0 v0, $0x0  }
0x1d: {  	v0 =	vnsel @!p0 vm1, $0x0, v0  }
0x1e: {  	v0 =	vmin.u32 @!p0 v0, $0x3FFF;
	_ =	sdelay $0x3  }
0x1f: {  	s12 =	sor.u32 @!p0 $0x50, s12;
	(ifvalue) =	ssetifvalue @!p0 $0x7FFFFFFF  }
0x20: {  	[tilespmem:s12], [sflag:$0x1] =	stream.indirect_vreg.gather @!p0 [hbm4b:s4+s14], $0x1, v0, vm0, $0x4038;
	[tilespmem:$0x80] =	vst v63  }
0x21: {  	s12 =	simm.s32 @!p0 $0x1  }
0x22: {  	_ =	swait.ge @!p0 [sflag:s12], $0x20  }
0x23: {  	s14 =	sshrl.u32 @!p0 s11, $0x3;
	[sflag:s12] =	ssyncset.done @!p0 $0x0  }
0x24: {  	s11 =	sand.u32 @!p0 $0x7, s11;
	[sflag:s12] =	ssyncadd.s32 @!p0 $0xFFFFFFE0;
	s12 =	sadd.s32 @!p0 s6, s14  }
0x25: {  	[hbm4b:s12+s11] =	stream.linear.scatter @!p0 [tilespmem:s13], [sflag:$0x3], $0x20, $0x38;
	[tilespmem:$0x80] =	vst v63  }
0x26: {  	s13 =	sadd.s32 $0x400, s10  }
0x27: {  	p1 =	sgt.s32 s13, $0x7BF  }
0x28: {  	s13 =	smov.u32 @p1 s3;
	p1 =	sne.s32 s9, s7  }
.Ltmp0:
0x29: {  	p0 =	slt.u32 s9, $0x2;
	(pc) =	sbr.rel @p1 .LBB2_1-.Ltmp0, $4  }
0x2a: {  	s12 =	simm.s32 @!p0 $0x3  }
0x2b: {  	_ =	swait.ge @!p0 [sflag:s12], $0x20  }
0x2c: {  	s8 =	sadd.s32 $0x20, s8;
	s11 =	smov.u32 s10;
	[sflag:s12] =	ssyncset.done @!p0 $0x0  }
0x2d: {  	s9 =	sadd.s32 $0x1, s9;
	s10 =	smov.u32 s13;
	[sflag:s12] =	ssyncadd.s32 @!p0 $0xFFFFFFE0  }
0x2e: {  	_ =	sfence.sel $0x180000  }
0x2f: {  	s2 =	simm.s32 $0x2;
	[bflag:$0x0] =	sbarrier.arrive $0xFFFF  }
0x30: {  	s30 =	simm.s32 $0x3;
	[sflag:s2] =	ssyncpa.u1 $0x1  }
0x31: {  	s31 =	simm.s32 $0x1;
	[sflag:s30] =	ssyncpa.u1 $0x1  }
0x32: {  	[sflag:s31] =	ssyncpa.u1 $0x1  }
0x33: {  	p0 =	sne.s32 s0, $0x0;
	_ =	strace $0x90000050  }
0x34: {  	s0 =	sadd.s32 @!p0 $0x100000, s1;
	[bflag:$0x2] =	sbarrier.arrive $0xFFFF  }
0x35: {  	[sflag:s0] =	ssyncadd.tile.s32 @!p0 $0x1;
	_ =	shalt  }
.Lfunc_end2:
_tile_overlayer_lowered:
.L_overlay_start_2:
0x36: {  	(tag) =	ssettag $0x2  }
0x37: {  	s0 =	rddreg [dreg:$0x0];
	s2 =	stileid.u32  }
0x38: {  	s1 =	rddreg [dreg:$0x1];
	p0 =	sne.s32 s2, $0x0  }
0x39: {  	s3 =	rddreg [dreg:$0x2];
	[bflag:$0x3] =	sbarrier.arrive $0xFFFF;
	s2 =	simm.s32 @!p0 $0x1C01  }
0x3a: {  	[timem:s3], [sflag:s2] =	dma.local @!p0 [hbm:s0], s1  }
0x3b: {  	s0 =	simm.s32 @!p0 $0x1  }
0x3c: {  	_ =	swait.ge @!p0 [sflag:s0], s1  }
0x3d: {  	s1 =	ssub.s32 @!p0 $0x0, s1;
	[sflag:s0] =	ssyncset.done @!p0 $0x0  }
0x3e: {  	[sflag:s0] =	ssyncadd.s32 @!p0 s1  }
0x3f: {  	[bflag:$0x3] =	sbarrier.arrive $0xFFFF  }
0x40: {  	_ =	shalt  }

// kernel: kernel.3.cloned.1.call-start
scs
__scs_entry_jumppad:
0x0: {  	(pc) =	sbr.rel $0x88, $3  }
0x1: {  	(tag) =	ssettag $0x0;
	lr =	simm.s32 $0x1  }
0x2: {  	[smem:$0x3F9F] =	sst lr;
	_ =	strace $0xD0000000  }
0x3: {  	_ = 	snop  }
0x4: {  	_ = 	snop  }
0x5: {  	_ = 	snop  }
0x6: {  	_ = 	snop  }
0x7: {  	_ = 	snop  }
__scs_overlays_trampoline_lowered:
0x8: {  	[smem:$0x3FAE] =	sst s0  }
0x9: {  	[smem:$0x3FAF] =	sst s1  }
0xa: {  	[smem:$0x3FB0] =	sst s2  }
0xb: {  	[smem:$0x3FB1] =	sst s3  }
0xc: {  	[smem:$0x3FB2] =	sst s4  }
0xd: {  	[smem:$0x3FB3] =	sst s5  }
0xe: {  	[smem:$0x3FB4] =	sst s6  }
0xf: {  	[smem:$0x3FB5] =	sst s7  }
0x10: {  	[smem:$0x3FB6] =	sst s8  }
0x11: {  	[smem:$0x3FB7] =	sst s9;
	s0 =	simm.s32 @!p0 $0x0  }
0x12: {  	s1 =	sld [smem:$0x3F9D];
	s0 =	simm.s32 @p0 $0x1  }
0x13: {  	[smem:$0x3FB8] =	sst s0;
	s0 =	simm.s32 @!p1 $0x0  }
0x14: {  	s2 =	sld [smem:$0x3F9C];
	s0 =	simm.s32 @p1 $0x1  }
0x15: {  	[smem:$0x3FB9] =	sst s0;
	s0 =	simm.s32 @!p2 $0x0  }
0x16: {  	s3 =	sld [smem:$0x3FDB];
	s0 =	simm.s32 @p2 $0x1  }
0x17: {  	s4 =	simm.s32 $0x1BF5;
	[smem:$0x3FBB] =	sst s0  }
0x18: {  	s0 =	sld [smem:$0x3F9E];
	_ =	swait.ge [sflag:s4], $0x0  }
0x19: {  	s7 =	sld [smem:$0x3F9F]  }
0x1a: {  	s8 =	sadd.s32 $0xFFFFE003, lr  }
0x1b: {  	s9 =	sadd.s32 $0xFFFFFEF7, lr;
	s5 =	simm.s32 $0xFFFFFFFF;
	p2 =	slt.u32 s8, $0xFFFFF086  }
0x1c: {  	p1 =	slt.u32 s9, $0xF7A;
	s5 =	simm.s32 @!p2 $0x0  }
0x1d: {  	s5 =	simm.s32 @p1 $0x1;
	p0 =	seq.s32 s7, s2  }
0x1e: {  	s7 =	smul.u32 @!p0 $0xF7A, s2;
	p2 =	seq.s32 @!p0 s5, $0x0  }
0x1f: {  	s9 =	smul.u32 $0xF7A, s1;
	s8 =	simm.s32 @!p0 $0x1BF5;
	p2 =	por !p2, p0  }
0x20: {  	[sflag:s8] =	ssyncset.s32 @!p0 $0xFFFFF086;
	s6 =	sadd.s32 @!p0 s3, s7;
	s7 =	simm.s32 @!p0 $0x108  }
0x21: {  	s3 =	sadd.s32 s3, s9;
	s6 =	sadd.s32 @!p0 $0x88, s6;
	s7 =	simm.s32 @p2 $0x1082  }
0x22: {  	[simem:s7], [sflag:s8] =	dma.local @!p0 [hbm:s6], $0xF7A  }
0x23: {  	s9 =	sor.u32 $0xD0000000, s2;
	s6 =	simm.s32 $0x108;
	_ =	swait.ge @!p0 [sflag:s8], $0x0  }
0x24: {  	s3 =	sadd.s32 $0x88, s3;
	s6 =	simm.s32 @!p1 $0x1082;
	[sflag:s4] =	ssyncset.s32 $0xFFFFF086  }
0x25: {  	[simem:s6], [sflag:s4] =	dma.local [hbm:s3], $0xF7A  }
0x26: {  	[smem:$0x3F9F] =	sst s1;
	(tag) =	ssettag s2;
	_ =	strace s9  }
0x27: {  	s1 =	sld [smem:$0x3FAF]  }
0x28: {  	s2 =	sld [smem:$0x3FB0]  }
0x29: {  	s4 =	sld [smem:$0x3FB2]  }
0x2a: {  	p0 =	seq.s32 s5, $0x0;
	s5 =	sld [smem:$0x3FB3]  }
0x2b: {  	s6 =	sld [smem:$0x3FB4]  }
0x2c: {  	s7 =	sld [smem:$0x3FB5]  }
0x2d: {  	s3 =	simm.s32 $0x108;
	s8 =	sld [smem:$0x3FB6]  }
0x2e: {  	s3 =	simm.s32 @!p0 $0x1082;
	s9 =	sld [smem:$0x3FB7]  }
0x2f: {  	lr =	sadd.s32 s0, s3;
	s0 =	sld [smem:$0x3FAE]  }
0x30: {  	s3 =	sld [smem:$0x3FB1]  }
0x31: {  	[smem:$0x3FBA] =	sst s10  }
0x32: {  	s10 =	sld [smem:$0x3FB8];
	_ =	sdelay $0x3  }
0x33: {  	p0 =	seq.s32 s10, $0x1;
	s10 =	sld [smem:$0x3FBA];
	_ =	sdelay $0x3  }
0x34: {  	[smem:$0x3FBA] =	sst s10  }
0x35: {  	s10 =	sld [smem:$0x3FB9];
	_ =	sdelay $0x3  }
0x36: {  	p1 =	seq.s32 s10, $0x1;
	s10 =	sld [smem:$0x3FBA];
	_ =	sdelay $0x3  }
0x37: {  	[smem:$0x3FBA] =	sst s10  }
0x38: {  	s10 =	sld [smem:$0x3FBB]  }
0x39: {  	_ = 	snop;
	(pc) =	sbr.ind lr, $3  }
0x3a: {  	_ = 	snop  }
0x3b: {  	_ = 	snop  }
0x3c: {  	p2 =	seq.s32 s10, $0x1;
	s10 =	sld [smem:$0x3FBA]  }
0x3d: {  	_ =	shalt  }
0x3e: {  	_ =	shalt  }
0x3f: {  	_ =	shalt  }
0x40: {  	_ =	shalt  }
0x41: {  	_ =	shalt  }
0x42: {  	_ =	shalt  }
0x43: {  	_ =	shalt  }
0x44: {  	_ =	shalt  }
0x45: {  	_ =	shalt  }
0x46: {  	_ =	shalt  }
0x47: {  	_ =	shalt  }
0x48: {  	_ =	shalt  }
0x49: {  	_ =	shalt  }
0x4a: {  	_ =	shalt  }
0x4b: {  	_ =	shalt  }
0x4c: {  	_ =	shalt  }
0x4d: {  	_ =	shalt  }
0x4e: {  	_ =	shalt  }
0x4f: {  	_ =	shalt  }
0x50: {  	_ =	shalt  }
0x51: {  	_ =	shalt  }
0x52: {  	_ =	shalt  }
0x53: {  	_ =	shalt  }
0x54: {  	_ =	shalt  }
0x55: {  	_ =	shalt  }
0x56: {  	_ =	shalt  }
0x57: {  	_ =	shalt  }
0x58: {  	_ =	shalt  }
0x59: {  	_ =	shalt  }
0x5a: {  	_ =	shalt  }
0x5b: {  	_ =	shalt  }
0x5c: {  	_ =	shalt  }
0x5d: {  	_ =	shalt  }
0x5e: {  	_ =	shalt  }
0x5f: {  	_ =	shalt  }
0x60: {  	_ =	shalt  }
0x61: {  	_ =	shalt  }
0x62: {  	_ =	shalt  }
0x63: {  	_ =	shalt  }
0x64: {  	_ =	shalt  }
0x65: {  	_ =	shalt  }
0x66: {  	_ =	shalt  }
0x67: {  	_ =	shalt  }
0x68: {  	_ =	shalt  }
0x69: {  	_ =	shalt  }
0x6a: {  	_ =	shalt  }
0x6b: {  	_ =	shalt  }
0x6c: {  	_ =	shalt  }
0x6d: {  	_ =	shalt  }
0x6e: {  	_ =	shalt  }
0x6f: {  	_ =	shalt  }
0x70: {  	_ =	shalt  }
0x71: {  	_ =	shalt  }
0x72: {  	_ =	shalt  }
0x73: {  	_ =	shalt  }
0x74: {  	_ =	shalt  }
0x75: {  	_ =	shalt  }
0x76: {  	_ =	shalt  }
0x77: {  	_ =	shalt  }
0x78: {  	_ =	shalt  }
0x79: {  	_ =	shalt  }
0x7a: {  	_ =	shalt  }
0x7b: {  	_ =	shalt  }
0x7c: {  	_ =	shalt  }
0x7d: {  	_ =	shalt  }
0x7e: {  	_ =	shalt  }
0x7f: {  	_ =	shalt  }
0x80: {  	_ =	shalt  }
0x81: {  	_ =	shalt  }
0x82: {  	_ =	shalt  }
0x83: {  	_ =	shalt  }
0x84: {  	_ =	shalt  }
0x85: {  	_ =	shalt  }
0x86: {  	_ =	shalt  }
0x87: {  	_ =	shalt  }
.Lfunc_end0:
.L_simem_size_0:
called_computation.3_lowered:
.L_overlay_start_0:
0x88: {  	s2 =	sld [smem:$0x3FD9]  }
0x89: {  	s3 =	sld [smem:$0x3FFE];
	_ =	sdelay $0x1  }
0x8a: {  	s1 =	srdreg.scid  }
0x8b: {  	s0 =	sand.u32 $0x1, s1  }
0x8c: {  	s17 =	sshll.u32 s0, $0xA;
	s2 =	sadd.s32 s3, s2  }
0x8d: {  	s2 =	sadd.s32 s2, s17  }
0x8e: {  	[smem:$0x3FC6] =	sst s2  }
0x8f: {  	_ = 	snop  }
0x90: {  	s2 =	sld [smem:$0x3FC8]  }
0x91: {  	s18 =	sld [smem:$0x3FD0];
	(tm) =	ssettm $0x1  }
0x92: {  	s4 =	sld [smem:$0x3FFB];
	_ =	sdelay $0x3  }
0x93: {  	_ =	strace s4  }
0x94: {  	s4 =	sld [smem:$0x3FFC];
	_ =	sdelay $0x3  }
0x95: {  	_ =	strace s4  }
0x96: {  	s4 =	sld [smem:$0x3FFD];
	_ =	sdelay $0x3  }
0x97: {  	_ =	strace s4  }
0x98: {  	_ =	strace $0x8FFFFFFF  }
0x99: {  	s19 =	sld [smem:$0x3FDB];
	_ =	sdelay $0x1  }
0x9a: {  	s5 =	simm.s32 $_scs_section_size  }
0x9b: {  	s6 =	simm.s32 $_size__tile_overlayer_lowered;
	s7 =	simm.s32 $_tile_overlayer_lowered  }
0x9c: {  	s22 =	simm.s32 $0x1BFF;
	s21 =	sshll.u32 s7, $0x1;
	s4 =	sadd.s32 s5, s19  }
0x9d: {  	s8 =	simm.s32 $0x0;
	s20 =	sshll.u32 s6, $0x1;
	s6 =	sadd.s32 s21, s4  }
0x9e: {  	[timem:s8], [sflag:s22] =	dma.local [hbm:s6], s20  }
0x9f: {  	_ =	swait.ge [sflag:s22], s20  }
0xa0: {  	s5 =	ssub.s32 $0x0, s20;
	[sflag:s22] =	ssyncset.done $0x0  }
0xa1: {  	[sflag:s22] =	ssyncadd.s32 s5;
	_ =	sdelay $0x1  }
0xa2: {  	s23 =	simm.s32 $0x1B8B  }
0xa3: {  	_ =	swait.ge [sflag:s23], $0x1  }
0xa4: {  	[sflag:s23] =	ssyncset.done $0x0  }
0xa5: {  	s25 =	simm.s32 $0x1B8E;
	s24 =	sld [smem:$0x3FFE];
	[sflag:s23] =	ssyncadd.s32 $0xFFFFFFFF  }
0xa6: {  	s26 =	simm.s32 $execute0_lowered;
	[smem:$0x3FD2] =	sst s25  }
0xa7: {  	s6 =	sshll.u32 s26, $0x1;
	_ =	strace $0x8000004C;
	[dreg:$0x1] =	wrdreg $0xFFFFFFFF  }
0xa8: {  	s28 =	simm.s32 $_size_execute0_lowered;
	s4 =	sadd.s32 s4, s6;
	[dreg:$0x0] =	wrdreg $0x0  }
0xa9: {  	s6 =	sshll.u32 s28, $0x1;
	[dreg:$0x2] =	wrdreg s4  }
0xaa: {  	[dreg:$0x3] =	wrdreg s6  }
0xab: {  	[dreg:$0x4] =	wrdreg $0xC0  }
0xac: {  	_ =	task [dreg:s8], $0x5FFFF  }
0xad: {  	[dreg:$0x1] =	wrdreg $0xFFFFFFFF  }
0xae: {  	[dreg:$0x0] =	wrdreg $0x60  }
0xaf: {  	[dreg:$0x2] =	wrdreg s18  }
0xb0: {  	[dreg:$0x3] =	wrdreg s24  }
0xb1: {  	[dreg:$0x4] =	wrdreg s2  }
0xb2: {  	[dreg:$0x5] =	wrdreg $0x9  }
0xb3: {  	_ =	task.clear_ibuf [dreg:s8], $0x6FFFF;
	_ =	strace $0x9000004C  }
0xb4: {  	s29 =	simm.s32 $0x9;
	_ =	strace $0x8000004E  }
0xb5: {  	_ =	swait.ge [sflag:s29], $0x1  }
0xb6: {  	[sflag:s29] =	ssyncadd.s32 $0xFFFFFFFF  }
0xb7: {  	_ =	strace $0x9000004E  }
0xb8: {  	_ =	sfence  }
0xb9: {  	s30 =	sld [smem:$0x0];
	_ =	sdelay $0x2  }
0xba: {  	s31 =	sshll.u32 s1, $0xD;
	s1 =	sshrl.u32 s1, $0x2  }
0xbb: {  	s3 =	sand.u32 $0x4000, s31;
	s1 =	sadd.s32 s1, s30  }
0xbc: {  	s0 =	sor.u32 s3, s0;
	s1 =	sshll.u32 s1, $0x11  }
0xbd: {  	s0 =	sor.u32 s1, s0  }
0xbe: {  	s0 =	sadd.s32 $0x8F2B, s0  }
0xbf: {  	[sflag:s0] =	ssyncadd.remote.s32 $0x1  }
0xc0: {  	_ =	sfence.sel $0xFFFF  }
0xc1: {  	[dreg:$0x0] =	wrdreg $0xFFFFFFFF;
	(pc) =	sbr.abs _section_cstart, $3  }
0xc2: {  	[dreg:$0x1] =	wrdreg $0xFFFFFFFF  }
0xc3: {  	_ =	task.clear_ibuf [dreg:s8], $0x2FFFF;
	_ =	strace $0x9FFFFFFF  }
0xc4: {  	(tm) =	ssettm $0x7FFFFFFF  }
0xc5: {  	_ =	shalt  }
tec
execute0_lowered:
.L_overlay_start_1:
0x0: {  	(tag) =	ssettag $0x1  }
0x1: {  	v0 =	vimm.s32 $0x1380;
	vm14 =	vcmask $0x300  }
0x2: {  	vm13 =	vcmask $0x704;
	vm12 =	vcmask $0xB08;
	vm11 =	vcmask $0xF0C  }
0x3: {  	vm10 =	vcmask $0x1310;
	vm9 =	vcmask $0x1714;
	vm8 =	vcmask $0x1B18  }
0x4: {  	vm7 =	vcmask $0x1F1C;
	vm6 =	vcmask $0x2320;
	vm5 =	vcmask $0x2724  }
0x5: {  	vm4 =	vcmask $0x2B28;
	vm3 =	vcmask $0x2F2C;
	vm2 =	vcmask $0x3330  }
0x6: {  	vm1 =	vcmask $0x3734;
	vm0 =	vcmask $0x3B38;
	v2 =	vimm.s32 $0x3380  }
0x7: {  	v3 =	vimm.s32 $0x5380;
	v4 =	vimm.s32 $0x7380;
	v0 =	vsel vm14, $0x0, v0  }
0x8: {  	v2 =	vsel vm14, $0x2000, v2;
	v3 =	vsel vm14, $0x4000, v3;
	v4 =	vsel vm14, $0x6000, v4  }
0x9: {  	v0 =	vsel vm13, $0x80, v0;
	v2 =	vsel vm13, $0x2080, v2;
	v3 =	vsel vm13, $0x4080, v3  }
0xa: {  	v4 =	vsel vm13, $0x6080, v4;
	v0 =	vsel vm12, $0x100, v0;
	v2 =	vsel vm12, $0x2100, v2  }
0xb: {  	v3 =	vsel vm12, $0x4100, v3;
	v4 =	vsel vm12, $0x6100, v4;
	v0 =	vsel vm11, $0x180, v0  }
0xc: {  	s0 =	srdreg.scid;
	v2 =	vsel vm11, $0x2180, v2;
	v3 =	vsel vm11, $0x4180, v3;
	v4 =	vsel vm11, $0x6180, v4  }
0xd: {  	s3 =	stileid.u32;
	s1 =	rddreg [dreg:$0x0];
	v0 =	vsel vm10, $0x200, v0;
	v2 =	vsel vm10, $0x2200, v2;
	v3 =	vsel vm10, $0x4200, v3  }
0xe: {  	s5 =	rddreg [dreg:$0x1];
	s17 =	simm.s32 $0x10680;
	s19 =	simm.s32 $0x1000;
	v4 =	vsel vm10, $0x6200, v4;
	v0 =	vsel vm9, $0x280, v0;
	v2 =	vsel vm9, $0x2280, v2  }
0xf: {  	s18 =	simm.s32 $0x4;
	s20 =	simm.s32 $0x7A1400;
	s21 =	simm.s32 $0x680;
	v3 =	vsel vm9, $0x4280, v3;
	v4 =	vsel vm9, $0x6280, v4;
	v0 =	vsel vm8, $0x300, v0  }
0x10: {  	s22 =	simm.s32 $0x8680;
	s23 =	simm.s32 $0x1;
	s24 =	simm.s32 $0x2;
	v2 =	vsel vm8, $0x2300, v2;
	v3 =	vsel vm8, $0x4300, v3;
	v4 =	vsel vm8, $0x6300, v4  }
0x11: {  	s0 =	sand.u32 $0x1, s0;
	s2 =	sshll.u32 s3, $0x1;
	s6 =	sshrl.u32 s3, $0x2;
	v0 =	vsel vm7, $0x380, v0;
	v2 =	vsel vm7, $0x2380, v2;
	v3 =	vsel vm7, $0x4380, v3  }
0x12: {  	s3 =	simm.s32 $0x0;
	s26 =	sadd.s32 $0x2C00, s5;
	s4 =	sor.u32 s0, s2;
	v4 =	vsel vm7, $0x6380, v4;
	v0 =	vsel vm6, $0x1000, v0;
	v2 =	vsel vm6, $0x3000, v2  }
0x13: {  	s2 =	rddreg [dreg:$0x2];
	s7 =	smul.u32 $0x1800, s6;
	s6 =	sshll.u32 s6, $0xA;
	v3 =	vsel vm6, $0x5000, v3;
	v4 =	vsel vm6, $0x7000, v4;
	v0 =	vsel vm5, $0x1080, v0  }
0x14: {  	[smem:$0x7FF] =	sst s3;
	s0 =	ssub.s32 $0x2, s0;
	s25 =	sshll.u32 s4, $0x7;
	v2 =	vsel vm5, $0x3080, v2;
	v3 =	vsel vm5, $0x5080, v3;
	v4 =	vsel vm5, $0x7080, v4  }
0x15: {  	_ =	strace $0x8000004D;
	s4 =	smul.u32 $0x7A00, s4;
	[dreg:$0x4] =	wrdreg s26;
	v0 =	vsel vm4, $0x1100, v0;
	v2 =	vsel vm4, $0x3100, v2;
	v3 =	vsel vm4, $0x5100, v3  }
0x16: {  	s28 =	sshrl.u32 s0, $0x1;
	s26 =	simm.s32 $0x0;
	s8 =	sand.u32 $0x380, s25;
	v4 =	vsel vm4, $0x7100, v4;
	v1 =	vsel vm3, $0x1180, v0;
	v0 =	vlaneseq.u32  }
0x17: {  	s0 =	ssub.s32 s0, s28;
	s7 =	sor.u32 s7, s8;
	s6 =	sor.u32 s6, s8;
	v2 =	vsel vm3, $0x3180, v2;
	v3 =	vsel vm3, $0x5180, v3;
	v4 =	vsel vm3, $0x7180, v4  }
0x18: {  	s29 =	sadd.s32 s2, s4;
	s0 =	smax.u32 s0, $0x1;
	s7 =	sshrl.u32 s7, $0x3;
	v1 =	vsel vm2, $0x1200, v1;
	v2 =	vsel vm2, $0x3200, v2;
	v3 =	vsel vm2, $0x5200, v3  }
.Ltmp0:
0x19: {  	s6 =	sshrl.u32 s6, $0x3;
	[dreg:$0x6] =	wrdreg s29;
	v4 =	vsel vm2, $0x7200, v4;
	v8 =	vmul.u32 $0x80, v0;
	v1 =	vsel vm1, $0x1280, v1;
	(pc) =	sbr.rel .LBB2_1-.Ltmp0, $4  }
0x1a: {  	[dreg:$0x9] =	wrdreg s0;
	s10 =	sadd.s32 s6, s5;
	s1 =	sadd.s32 s1, s7;
	v2 =	vsel vm1, $0x3280, v2;
	v3 =	vsel vm1, $0x5280, v3;
	v4 =	vsel vm1, $0x7280, v4  }
0x1b: {  	s9 =	sadd.s32 s7, s5;
	[dreg:$0x5] =	wrdreg s1;
	s30 =	sadd.s32 $0x3E00, s10;
	v1 =	vsel vm0, $0x1300, v1;
	v2 =	vsel vm0, $0x3300, v2;
	v3 =	vsel vm0, $0x5300, v3  }
0x1c: {  	s25 =	simm.s32 $0x3;
	s31 =	sadd.s32 $0x5800, s9;
	[dreg:$0x7] =	wrdreg s30;
	v4 =	vsel vm0, $0x7300, v4;
	vm0 =	vcmask $0x373C;
	v5 =	vadd.s32 $0xFFF0BE40, v8  }
0x1d: {  	s11 =	sadd.s32 $0x400, s29;
	s6 =	sadd.s32 $0x6400, s5;
	[dreg:$0x8] =	wrdreg s31;
	v6 =	vor.u32 $0x800, v8;
	v7 =	vor.u32 $0x1000, v8;
	v8 =	vor.u32 $0x1800, v8  }
.LBB2_28:
0x1e: {  	[sflag:s25] =	ssyncadd.s32 $0xFFFFF800  }
.LBB2_29:
0x1f: {  	s26 =	sadd.s32 $0x1, s26;
	s0 =	rddreg [dreg:$0x9]  }
0x20: {  	p0 =	sne.s32 s26, s0  }
.Ltmp1:
0x21: {  	_ = 	snop;
	(pc) =	sbr.rel @!p0 .LBB2_30-.Ltmp1, $1  }
0x22: {  	_ =	sdelay $0x3  }
.LBB2_1:
0x23: {  	s0 =	rddreg [dreg:$0x5]  }
0x24: {  	s1 =	simm.s32 $0x80;
	s5 =	simm.s32 $0x400;
	s7 =	simm.s32 $0x300  }
0x25: {  	[tilespmem:s7], [sflag:$0x4] =	stream.strided.gather [hbm4b:s0+s1], $0x300, s5, s1, $0x38;
	[tilespmem:$0x16680] =	vst v63  }
0x26: {  	_ =	swait.ge [sflag:s18], $0x300  }
0x27: {  	[sflag:s18] =	ssyncset.done $0x0  }
0x28: {  	s16 =	simm.s32 $0x600;
	s15 =	rddreg [dreg:$0x7];
	[sflag:s18] =	ssyncadd.s32 $0xFFFFFD00  }
0x29: {  	[tilespmem:s16], [sflag:$0x4] =	stream.linear.gather [hbm4b:s15+s3], $0x80, $0x38;
	[tilespmem:$0x16680] =	vst v63  }
0x2a: {  	_ =	swait.ge [sflag:s18], $0x80  }
0x2b: {  	[sflag:s18] =	ssyncset.done $0x0  }
0x2c: {  	s29 =	rddreg [dreg:$0x8];
	[sflag:s18] =	ssyncadd.s32 $0xFFFFFF80  }
0x2d: {  	[tilespmem:s3], [sflag:$0x4] =	stream.strided.gather [hbm4b:s29+s1], $0x300, s5, s1, $0x38;
	[tilespmem:$0x16680] =	vst v63  }
0x2e: {  	_ =	swait.ge [sflag:s18], $0x300  }
0x2f: {  	[sflag:s18] =	ssyncset.done $0x0  }
0x30: {  	s30 =	rddreg [dreg:$0x4];
	[sflag:s18] =	ssyncadd.s32 $0xFFFFFD00  }
0x31: {  	[tilespmem:s17], [sflag:$0x4] =	stream.linear.gather [hbm4b:s30+s3], $0x2000, $0x38;
	[tilespmem:$0x16680] =	vst v63  }
.Ltmp2:
0x32: {  	_ = 	snop;
	(pc) =	sbr.rel .LBB2_2-.Ltmp2, $4  }
0x33: {  	_ =	swait.ge [sflag:s18], $0x2000  }
0x34: {  	s28 =	simm.s32 $0x0;
	[sflag:s18] =	ssyncset.done $0x0  }
0x35: {  	s7 =	simm.s32 $0x0;
	s31 =	rddreg [dreg:$0x6];
	[sflag:s18] =	ssyncadd.s32 $0xFFFFE000  }
0x36: {  	[tilespmem:s21], [sflag:$0x1] =	stream.strided.gather [hbm4b:s31+s19], $0x8000, s20, s19, $0x38;
	[tilespmem:$0x16680] =	vst v63  }
.LBB2_12:
0x37: {  	s13 =	smov.u32 s0  }
.LBB2_16:
0x38: {  	_ =	sdelay $0x2  }
0x39: {  	s8 =	simm.s32 @!p3 $0x3;
	p1 =	por p2, !p0  }
0x3a: {  	[hbm4b:s6+s10] =	stream.indirect_vreg.scatter @!p1 [tilespmem:s9], [sflag:$0x3], $0x80, v10, vm1, $0xb8;
	[tilespmem:$0x16680] =	vst v63  }
0x3b: {  	_ =	swait.ge @!p3 [sflag:s8], $0x800  }
0x3c: {  	[sflag:s8] =	ssyncset.done @!p3 $0x0  }
0x3d: {  	[sflag:s8] =	ssyncadd.s32 @!p3 $0xFFFFF800;
	s8 =	sand.u32 $0xFFFFFFF0, s16  }
0x3e: {  	v10 =	vld [tilespmem:s8+$0x300];
	_ =	sdelay $0x3  }
0x3f: {  	v11 =	vmov s5  }
0x40: {  	v10 =	vperm.xlane v10, v11;
	_ =	sdelay $0x1  }
0x41: {  	v9 =	vsub.s32 v10, v9  }
0x42: {  	v9 =	vshll.u32 v9, $0x3  }
0x43: {  	v10 =	vand.u32 $0x7F, v10;
	v9 =	vand.u32 $0xFFFFFC00, v9  }
0x44: {  	v9 =	vor.u32 v10, v9  }
0x45: {  	v10 =	vadd.s32 v1, v9;
	_ =	sdelay $0x4  }
0x46: {  	v10 =	vld.idx.msk [tilespmem:v10+s22+$0x0], $0xffff  }
0x47: {  	v11 =	vadd.s32 v2, v9  }
0x48: {  	s9 =	sadd.s32 @p0 $0x80, s13  }
0x49: {  	s0 =	smov.u32 @p0 s9  }
0x4a: {  	s9 =	sand.u32 $0x3F80, s0  }
0x4b: {  	[tilespmem:s9+$0x12680] =	vst v10  }
0x4c: {  	v10 =	vld.idx.msk [tilespmem:v11+s22+$0x0], $0xffff  }
0x4d: {  	v11 =	vadd.s32 v3, v9;
	_ =	sdelay $0x3  }
0x4e: {  	[tilespmem:s9+$0x12690] =	vst v10  }
0x4f: {  	v10 =	vld.idx.msk [tilespmem:v11+s22+$0x0], $0xffff  }
0x50: {  	v9 =	vadd.s32 v4, v9;
	_ =	sdelay $0x3  }
0x51: {  	[tilespmem:s9+$0x126A0] =	vst v10  }
0x52: {  	v9 =	vld.idx.msk [tilespmem:v9+s22+$0x0], $0xffff;
	_ =	sdelay $0x4  }
0x53: {  	p0 =	sne.s32 s5, $0xF;
	[tilespmem:s9+$0x126B0] =	vst v9  }
0x54: {  	v9 =	vld @!p0 [tilespmem:s8+$0x0];
	_ =	sdelay $0x5  }
0x55: {  	s0 =	sand.u32 @!p0 $0x3800, s0  }
0x56: {  	vm1 =	vmmov @!p0 $0xffff;
	s5 =	simm.s32 @!p0 $0x0;
	s0 =	sadd.s32 @!p0 $0x12680, s0  }
0x57: {  	[hbm4b:s6+s5] =	stream.indirect_vreg.scatter @!p0 [tilespmem:s0], [sflag:$0x3], $0x80, v9, vm1, $0xb8;
	[tilespmem:$0x16680] =	vst v63  }
.LBB2_17:
0x58: {  	s28 =	sadd.s32 $0x1, s28  }
0x59: {  	p0 =	sne.s32 s28, $0x1F  }
.Ltmp3:
0x5a: {  	_ = 	snop;
	(pc) =	sbr.rel @!p0 .LBB2_18-.Ltmp3, $1  }
0x5b: {  	_ =	sdelay $0x3  }
.LBB2_2:
0x5c: {  	s1 =	sshllo.u32 s28, $0x1  }
0x5d: {  	s0 =	sshll.u32 s1, $0x9  }
0x5e: {  	s30 =	sadd.s32 s4, s0  }
0x5f: {  	s0 =	sadd.s32 s2, s30  }
0x60: {  	[tilespmem:s22], [sflag:$0x2] =	stream.strided.gather [hbm4b:s0+s19], $0x8000, s20, s19, $0x38;
	[tilespmem:$0x16680] =	vst v63  }
0x61: {  	_ =	swait.ge [sflag:s23], $0x8000  }
0x62: {  	s5 =	sshll.u32 s28, $0x1;
	[sflag:s23] =	ssyncset.done $0x0  }
0x63: {  	s0 =	sand.u32 $0x30, s5;
	[sflag:s23] =	ssyncadd.s32 $0xFFFF8000  }
0x64: {  	v9 =	vld [tilespmem:s0+$0x600];
	_ =	sdelay $0x2  }
0x65: {  	s5 =	sand.u32 $0xE, s5  }
0x66: {  	v10 =	vmov s5  }
0x67: {  	vm1 =	veq.s32 v10, v0;
	v9 =	vxor.u32 $0x80000000, v9  }
0x68: {  	v9 =	vnsel vm1, $0x80000000, v9  }
0x69: {  	(xrf0) =	vmax.scan.msk.u32 $0xffff, v9;
	_ =	sdelay $0x5  }
0x6a: {  	v9, _, _ =	vpop (xrf0)  }
0x6b: {  	(v2sf) =	vpush v9, $0xF;
	_ =	sdelay $0xe  }
0x6c: {  	s31 =	spop (v2sf)  }
0x6d: {  	s15 =	sxor.u32 $0x80000000, s31  }
0x6e: {  	p0 =	sge.s32 s7, s15  }
.Ltmp4:
0x6f: {  	_ = 	snop;
	(pc) =	sbr.rel @p0 .LBB2_10-.Ltmp4, $2  }
0x70: {  	_ =	sdelay $0x2  }
0x71: {  	s16 =	sshll.u32 s28, $0xA  }
0x72: {  	s29 =	sadd.s32 $0x1, s7  }
0x73: {  	p1 =	sne.s32 s15, s29  }
.Ltmp5:
0x74: {  	_ = 	snop;
	(pc) =	sbr.rel @!p1 .LBB2_4-.Ltmp5, $4  }
0x75: {  	_ = 	snop  }
0x76: {  	s13 =	sand.u32 $0xF, s7;
	p0 =	slt.s32 s7, $0x80  }
0x77: {  	s5 =	sadd.s32 s4, s16;
	p2 =	sne.s32 @!p0 s13, $0x0  }
0x78: {  	s14 =	sshll.u32 s7, $0x7;
	v9 =	vmov s5;
	p2 =	por p2, p0;
	p0 =	por $0x0, $0x0  }
0x79: {  	s5 =	simm.s32 @!p2 $0x3  }
0x7a: {  	_ =	swait.ge @!p2 [sflag:s5], $0x800  }
0x7b: {  	[sflag:s5] =	ssyncset.done @!p2 $0x0  }
0x7c: {  	[sflag:s5] =	ssyncadd.s32 @!p2 $0xFFFFF800;
	s5 =	sand.u32 $0xFFFFFFF0, s7  }
0x7d: {  	v10 =	vld [tilespmem:s5+$0x300];
	_ =	sdelay $0x3  }
0x7e: {  	v11 =	vmov s13  }
0x7f: {  	v10 =	vperm.xlane v10, v11;
	_ =	sdelay $0x1  }
0x80: {  	v11 =	vsub.s32 v10, v9  }
0x81: {  	v11 =	vshll.u32 v11, $0x3  }
0x82: {  	v10 =	vand.u32 $0x7F, v10;
	v11 =	vand.u32 $0xFFFFFC00, v11  }
0x83: {  	v10 =	vor.u32 v10, v11  }
0x84: {  	v11 =	vadd.s32 v1, v10;
	_ =	sdelay $0x4  }
0x85: {  	v11 =	vld.idx.msk [tilespmem:v11+s21+$0x0], $0xffff  }
0x86: {  	v12 =	vadd.s32 v2, v10;
	_ =	sdelay $0x2  }
0x87: {  	s9 =	sand.u32 $0x3F80, s14  }
0x88: {  	[tilespmem:s9+$0x12680] =	vst v11  }
0x89: {  	v11 =	vld.idx.msk [tilespmem:v12+s21+$0x0], $0xffff  }
0x8a: {  	v63 =	vadd.s32 v3, v10;
	_ =	sdelay $0x3  }
0x8b: {  	[tilespmem:s9+$0x12690] =	vst v11  }
0x8c: {  	v11 =	vld.idx.msk [tilespmem:v63+s21+$0x0], $0xffff  }
0x8d: {  	v10 =	vadd.s32 v4, v10;
	_ =	sdelay $0x3  }
0x8e: {  	[tilespmem:s9+$0x126A0] =	vst v11  }
0x8f: {  	v10 =	vld.idx.msk [tilespmem:v10+s21+$0x0], $0xffff;
	_ =	sdelay $0x4  }
0x90: {  	p3 =	sne.s32 s13, $0xF;
	s7 =	sadd.s32 $0x1, s29;
	[tilespmem:s9+$0x126B0] =	vst v10  }
0x91: {  	p1 =	sne.s32 s15, s7;
	v10 =	vld @!p3 [tilespmem:s5+$0x0]  }
.Ltmp6:
0x92: {  	_ = 	snop;
	(pc) =	sbr.rel @!p1 .LBB2_6-.Ltmp6, $4  }
0x93: {  	s13 =	sand.u32 $0xF, s29;
	p0 =	slt.s32 s29, $0x80  }
0x94: {  	p2 =	sne.s32 @!p0 s13, $0x0  }
0x95: {  	s10 =	sand.u32 @!p3 $0x3800, s14;
	p2 =	por p2, p0;
	p0 =	por $0x1, $0x1  }
0x96: {  	vm1 =	vmmov @!p3 $0xffff;
	s9 =	sadd.s32 @!p3 $0x12680, s10;
	s10 =	simm.s32 @!p3 $0x0;
	s5 =	smov.u32 s14  }
.LBB2_7:
0x97: {  	s12 =	simm.s32 @!p2 $0x3  }
0x98: {  	s5 =	sadd.s32 $0x80, s5;
	s8 =	smov.u32 s7;
	s7 =	sadd.s32 $0x1, s7  }
0x99: {  	[hbm4b:s6+s10] =	stream.indirect_vreg.scatter @!p3 [tilespmem:s9], [sflag:$0x3], $0x80, v10, vm1, $0xb8;
	[tilespmem:$0x16680] =	vst v63  }
0x9a: {  	p1 =	sne.s32 s15, s7;
	_ =	swait.ge @!p2 [sflag:s12], $0x800  }
0x9b: {  	[sflag:s12] =	ssyncset.done @!p2 $0x0  }
0x9c: {  	s9 =	sand.u32 $0xFFFFFFF0, s29;
	s29 =	smov.u32 s8;
	[sflag:s12] =	ssyncadd.s32 @!p2 $0xFFFFF800  }
0x9d: {  	v10 =	vld [tilespmem:s9+$0x300];
	_ =	sdelay $0x3  }
0x9e: {  	v11 =	vmov s13  }
0x9f: {  	v10 =	vperm.xlane v10, v11;
	_ =	sdelay $0x1  }
0xa0: {  	v11 =	vsub.s32 v10, v9  }
0xa1: {  	v11 =	vshll.u32 v11, $0x3  }
0xa2: {  	v10 =	vand.u32 $0x7F, v10;
	v11 =	vand.u32 $0xFFFFFC00, v11  }
0xa3: {  	v10 =	vor.u32 v10, v11  }
0xa4: {  	v11 =	vadd.s32 v1, v10;
	_ =	sdelay $0x4  }
0xa5: {  	v11 =	vld.idx.msk [tilespmem:v11+s21+$0x0], $0xffff;
	_ =	sdelay $0x1  }
0xa6: {  	v12 =	vadd.s32 v2, v10;
	_ =	sdelay $0x2  }
0xa7: {  	s8 =	sand.u32 $0x3F80, s5  }
0xa8: {  	[tilespmem:s8+$0x12680] =	vst v11  }
0xa9: {  	v11 =	vld.idx.msk [tilespmem:v12+s21+$0x0], $0xffff  }
0xaa: {  	v12 =	vadd.s32 v3, v10;
	_ =	sdelay $0x4  }
0xab: {  	[tilespmem:s8+$0x12690] =	vst v11  }
0xac: {  	v11 =	vld.idx.msk [tilespmem:v12+s21+$0x0], $0xffff  }
0xad: {  	v10 =	vadd.s32 v4, v10;
	_ =	sdelay $0x4  }
0xae: {  	[tilespmem:s8+$0x126A0] =	vst v11  }
0xaf: {  	v10 =	vld.idx.msk [tilespmem:v10+s21+$0x0], $0xffff;
	_ =	sdelay $0x5  }
0xb0: {  	p3 =	sne.s32 s13, $0xF;
	[tilespmem:s8+$0x126B0] =	vst v10  }
0xb1: {  	s8 =	sand.u32 @!p3 $0x3800, s5;
	v10 =	vld @!p3 [tilespmem:s9+$0x0]  }
0xb2: {  	s9 =	sadd.s32 @!p3 $0x12680, s8  }
.Ltmp7:
0xb3: {  	(pc) =	sbr.rel @p1 .LBB2_7-.Ltmp7, $4  }
0xb4: {  	_ = 	snop  }
0xb5: {  	s13 =	sand.u32 $0xF, s29;
	p2 =	slt.s32 s29, $0x80  }
0xb6: {  	p4 =	sne.s32 @!p2 s13, $0x0  }
0xb7: {  	vm1 =	vmmov @!p3 $0xffff;
	s10 =	simm.s32 @!p3 $0x0;
	p2 =	por p4, p2  }
0xb8: {  	s7 =	smov.u32 s29  }
.LBB2_9:
0xb9: {  	_ =	sdelay $0x2  }
0xba: {  	s8 =	simm.s32 @!p2 $0x3;
	p1 =	por p3, !p0  }
0xbb: {  	[hbm4b:s6+s10] =	stream.indirect_vreg.scatter @!p1 [tilespmem:s9], [sflag:$0x3], $0x80, v10, vm1, $0xb8;
	[tilespmem:$0x16680] =	vst v63  }
0xbc: {  	_ =	swait.ge @!p2 [sflag:s8], $0x800  }
0xbd: {  	[sflag:s8] =	ssyncset.done @!p2 $0x0  }
0xbe: {  	s7 =	sand.u32 $0xFFFFFFF0, s7;
	[sflag:s8] =	ssyncadd.s32 @!p2 $0xFFFFF800  }
0xbf: {  	v10 =	vld [tilespmem:s7+$0x300];
	_ =	sdelay $0x3  }
0xc0: {  	v11 =	vmov s13  }
0xc1: {  	v10 =	vperm.xlane v10, v11;
	_ =	sdelay $0x1  }
0xc2: {  	v9 =	vsub.s32 v10, v9  }
0xc3: {  	v9 =	vshll.u32 v9, $0x3  }
0xc4: {  	v10 =	vand.u32 $0x7F, v10;
	v9 =	vand.u32 $0xFFFFFC00, v9  }
0xc5: {  	v9 =	vor.u32 v10, v9  }
0xc6: {  	v10 =	vadd.s32 v1, v9;
	_ =	sdelay $0x4  }
0xc7: {  	v10 =	vld.idx.msk [tilespmem:v10+s21+$0x0], $0xffff  }
0xc8: {  	v11 =	vadd.s32 v2, v9  }
0xc9: {  	s5 =	sadd.s32 @p0 $0x80, s5  }
0xca: {  	s14 =	smov.u32 @p0 s5  }
0xcb: {  	s5 =	sand.u32 $0x3F80, s14  }
0xcc: {  	[tilespmem:s5+$0x12680] =	vst v10  }
0xcd: {  	v10 =	vld.idx.msk [tilespmem:v11+s21+$0x0], $0xffff  }
0xce: {  	v11 =	vadd.s32 v3, v9;
	_ =	sdelay $0x3  }
0xcf: {  	[tilespmem:s5+$0x12690] =	vst v10  }
0xd0: {  	v10 =	vld.idx.msk [tilespmem:v11+s21+$0x0], $0xffff  }
0xd1: {  	v9 =	vadd.s32 v4, v9;
	_ =	sdelay $0x3  }
0xd2: {  	[tilespmem:s5+$0x126A0] =	vst v10  }
0xd3: {  	v9 =	vld.idx.msk [tilespmem:v9+s21+$0x0], $0xffff;
	_ =	sdelay $0x4  }
0xd4: {  	p0 =	sne.s32 s13, $0xF;
	[tilespmem:s5+$0x126B0] =	vst v9  }
0xd5: {  	v9 =	vld @!p0 [tilespmem:s7+$0x0];
	_ =	sdelay $0x5  }
0xd6: {  	s5 =	sand.u32 @!p0 $0x3800, s14  }
0xd7: {  	vm1 =	vmmov @!p0 $0xffff;
	s5 =	sadd.s32 @!p0 $0x12680, s5;
	s7 =	simm.s32 @!p0 $0x0  }
0xd8: {  	[hbm4b:s6+s7] =	stream.indirect_vreg.scatter @!p0 [tilespmem:s5], [sflag:$0x3], $0x80, v9, vm1, $0xb8;
	[tilespmem:$0x16680] =	vst v63  }
.LBB2_10:
0xd9: {  	p0 =	seq.s32 s28, $0x1E  }
0xda: {  	s5 =	sadd.s32 @!p0 s16, s11  }
0xdb: {  	s7 =	simm.s32 @!p0 $0x1000;
	s8 =	simm.s32 @!p0 $0x7A1400;
	s9 =	simm.s32 @!p0 $0x680  }
0xdc: {  	[tilespmem:s9], [sflag:$0x1] =	stream.strided.gather @!p0 [hbm4b:s5+s7], $0x8000, s8, s7, $0x38;
	[tilespmem:$0x16680] =	vst v63  }
0xdd: {  	_ =	swait.ge [sflag:s24], $0x8000  }
0xde: {  	[sflag:s24] =	ssyncset.done $0x0  }
0xdf: {  	[sflag:s24] =	ssyncadd.s32 $0xFFFF8000  }
0xe0: {  	v9 =	vld [tilespmem:s0+$0x600];
	_ =	sdelay $0x2  }
0xe1: {  	s29 =	sand.u32 $0xF, s1  }
0xe2: {  	v10 =	vmov s29  }
0xe3: {  	vm1 =	veq.s32 v10, v0;
	v9 =	vxor.u32 $0x80000000, v9  }
0xe4: {  	v9 =	vnsel vm1, $0x80000000, v9  }
0xe5: {  	(xrf0) =	vmax.scan.msk.u32 $0xffff, v9;
	_ =	sdelay $0x5  }
0xe6: {  	v9, _, _ =	vpop (xrf0)  }
0xe7: {  	(v2sf) =	vpush v9, $0xF;
	_ =	sdelay $0xe  }
0xe8: {  	s1 =	spop (v2sf)  }
0xe9: {  	s7 =	sxor.u32 $0x80000000, s1  }
0xea: {  	p0 =	sge.s32 s15, s7  }
.Ltmp8:
0xeb: {  	_ = 	snop;
	(pc) =	sbr.rel @p0 .LBB2_17-.Ltmp8, $1  }
0xec: {  	_ =	sdelay $0x3  }
0xed: {  	s9 =	sadd.s32 $0x1, s31  }
0xee: {  	p1 =	sne.s32 s1, s9  }
.Ltmp9:
0xef: {  	_ = 	snop;
	(pc) =	sbr.rel @!p1 .LBB2_12-.Ltmp9, $4  }
0xf0: {  	s16 =	sadd.s32 $0x80000000, s31  }
0xf1: {  	s5 =	sand.u32 $0xF, s16;
	p0 =	slt.s32 s16, $0x80  }
0xf2: {  	p2 =	sne.s32 @!p0 s5, $0x0  }
0xf3: {  	v9 =	vmov s30;
	s0 =	sshll.u32 s31, $0x7;
	p3 =	por p2, p0;
	p0 =	por $0x0, $0x0  }
0xf4: {  	s8 =	simm.s32 @!p3 $0x3  }
0xf5: {  	_ =	swait.ge @!p3 [sflag:s8], $0x800  }
0xf6: {  	[sflag:s8] =	ssyncset.done @!p3 $0x0  }
0xf7: {  	[sflag:s8] =	ssyncadd.s32 @!p3 $0xFFFFF800;
	s8 =	sand.u32 $0xFFFFFFF0, s16  }
0xf8: {  	v10 =	vld [tilespmem:s8+$0x300];
	_ =	sdelay $0x3  }
0xf9: {  	v11 =	vmov s5  }
0xfa: {  	v10 =	vperm.xlane v10, v11;
	_ =	sdelay $0x1  }
0xfb: {  	v11 =	vsub.s32 v10, v9  }
0xfc: {  	v11 =	vshll.u32 v11, $0x3  }
0xfd: {  	v10 =	vand.u32 $0x7F, v10;
	v11 =	vand.u32 $0xFFFFFC00, v11  }
0xfe: {  	v10 =	vor.u32 v10, v11  }
0xff: {  	v11 =	vadd.s32 v1, v10;
	_ =	sdelay $0x4  }
0x100: {  	v11 =	vld.idx.msk [tilespmem:v11+s22+$0x0], $0xffff  }
0x101: {  	v12 =	vadd.s32 v2, v10;
	_ =	sdelay $0x2  }
0x102: {  	s10 =	sand.u32 $0x3F80, s0  }
0x103: {  	[tilespmem:s10+$0x12680] =	vst v11  }
0x104: {  	v11 =	vld.idx.msk [tilespmem:v12+s22+$0x0], $0xffff  }
0x105: {  	v63 =	vadd.s32 v3, v10;
	_ =	sdelay $0x3  }
0x106: {  	[tilespmem:s10+$0x12690] =	vst v11  }
0x107: {  	v11 =	vld.idx.msk [tilespmem:v63+s22+$0x0], $0xffff  }
0x108: {  	v10 =	vadd.s32 v4, v10;
	_ =	sdelay $0x3  }
0x109: {  	[tilespmem:s10+$0x126A0] =	vst v11  }
0x10a: {  	v10 =	vld.idx.msk [tilespmem:v10+s22+$0x0], $0xffff;
	_ =	sdelay $0x4  }
0x10b: {  	s14 =	sadd.s32 $0x1, s9;
	p2 =	sne.s32 s5, $0xF;
	[tilespmem:s10+$0x126B0] =	vst v10  }
0x10c: {  	p1 =	sne.s32 s1, s14;
	v10 =	vld @!p2 [tilespmem:s8+$0x0]  }
.Ltmp10:
0x10d: {  	_ = 	snop;
	(pc) =	sbr.rel @!p1 .LBB2_14-.Ltmp10, $4  }
0x10e: {  	s16 =	sadd.s32 $0x80000000, s9  }
0x10f: {  	s9 =	sand.u32 @!p2 $0x3800, s0;
	s5 =	sand.u32 $0xF, s16;
	p0 =	slt.s32 s16, $0x80  }
0x110: {  	s13 =	smov.u32 s0;
	s9 =	sadd.s32 @!p2 $0x12680, s9;
	p3 =	sne.s32 @!p0 s5, $0x0  }
0x111: {  	vm1 =	vmmov @!p2 $0xffff;
	p3 =	por p3, p0;
	p0 =	por $0x1, $0x1;
	s10 =	simm.s32 @!p2 $0x0  }
.LBB2_15:
0x112: {  	s8 =	simm.s32 @!p3 $0x3  }
0x113: {  	s13 =	sadd.s32 $0x80, s13;
	s15 =	smov.u32 s14;
	s14 =	sadd.s32 $0x1, s14  }
0x114: {  	[hbm4b:s6+s10] =	stream.indirect_vreg.scatter @!p2 [tilespmem:s9], [sflag:$0x3], $0x80, v10, vm1, $0xb8;
	[tilespmem:$0x16680] =	vst v63  }
0x115: {  	p1 =	sne.s32 s1, s14;
	_ =	swait.ge @!p3 [sflag:s8], $0x800  }
0x116: {  	[sflag:s8] =	ssyncset.done @!p3 $0x0  }
0x117: {  	s9 =	sand.u32 $0xFFFFFFF0, s16;
	[sflag:s8] =	ssyncadd.s32 @!p3 $0xFFFFF800  }
0x118: {  	v10 =	vld [tilespmem:s9+$0x300];
	_ =	sdelay $0x3  }
0x119: {  	v11 =	vmov s5  }
0x11a: {  	v10 =	vperm.xlane v10, v11;
	_ =	sdelay $0x1  }
0x11b: {  	v11 =	vsub.s32 v10, v9  }
0x11c: {  	v11 =	vshll.u32 v11, $0x3  }
0x11d: {  	v10 =	vand.u32 $0x7F, v10;
	v11 =	vand.u32 $0xFFFFFC00, v11  }
0x11e: {  	v10 =	vor.u32 v10, v11  }
0x11f: {  	v11 =	vadd.s32 v1, v10;
	_ =	sdelay $0x4  }
0x120: {  	v11 =	vld.idx.msk [tilespmem:v11+s22+$0x0], $0xffff;
	_ =	sdelay $0x1  }
0x121: {  	v12 =	vadd.s32 v2, v10;
	_ =	sdelay $0x2  }
0x122: {  	s8 =	sand.u32 $0x3F80, s13  }
0x123: {  	[tilespmem:s8+$0x12680] =	vst v11  }
0x124: {  	v11 =	vld.idx.msk [tilespmem:v12+s22+$0x0], $0xffff;
	_ =	sdelay $0x1  }
0x125: {  	v12 =	vadd.s32 v3, v10;
	_ =	sdelay $0x3  }
0x126: {  	[tilespmem:s8+$0x12690] =	vst v11  }
0x127: {  	v11 =	vld.idx.msk [tilespmem:v12+s22+$0x0], $0xffff;
	_ =	sdelay $0x1  }
0x128: {  	v10 =	vadd.s32 v4, v10;
	_ =	sdelay $0x3  }
0x129: {  	[tilespmem:s8+$0x126A0] =	vst v11  }
0x12a: {  	v10 =	vld.idx.msk [tilespmem:v10+s22+$0x0], $0xffff;
	_ =	sdelay $0x5  }
0x12b: {  	p2 =	sne.s32 s5, $0xF;
	[tilespmem:s8+$0x126B0] =	vst v10  }
0x12c: {  	s5 =	sand.u32 @!p2 $0x3800, s13;
	v10 =	vld @!p2 [tilespmem:s9+$0x0]  }
0x12d: {  	s9 =	sadd.s32 @!p2 $0x12680, s5  }
.Ltmp11:
0x12e: {  	(pc) =	sbr.rel @p1 .LBB2_15-.Ltmp11, $4  }
0x12f: {  	s16 =	sadd.s32 $0x80000000, s15  }
0x130: {  	p3 =	slt.s32 s16, $0x80;
	s5 =	sand.u32 $0xF, s16  }
0x131: {  	p4 =	sne.s32 @!p3 s5, $0x0  }
0x132: {  	vm1 =	vmmov @!p2 $0xffff;
	s10 =	simm.s32 @!p2 $0x0;
	p3 =	por p4, p3  }
.Ltmp12:
0x133: {  	_ = 	snop;
	(pc) =	sbr.rel .LBB2_16-.Ltmp12, $1  }
0x134: {  	_ =	sdelay $0x3  }
.LBB2_4:
.Ltmp13:
0x135: {  	(pc) =	sbr.rel .LBB2_9-.Ltmp13, $2  }
0x136: {  	_ =	sdelay $0x2  }
0x137: {  	s5 =	smov.u32 s14  }
.LBB2_6:
.Ltmp14:
0x138: {  	(pc) =	sbr.rel .LBB2_9-.Ltmp14, $2  }
0x139: {  	_ =	sdelay $0x2  }
0x13a: {  	s5 =	smov.u32 s14;
	s7 =	smov.u32 s29  }
.LBB2_14:
.Ltmp15:
0x13b: {  	(pc) =	sbr.rel .LBB2_16-.Ltmp15, $2  }
0x13c: {  	_ =	sdelay $0x2  }
0x13d: {  	s13 =	smov.u32 s0  }
.LBB2_18:
0x13e: {  	v9 =	vld [tilespmem:$0x630];
	_ =	sdelay $0x4  }
0x13f: {  	v9 =	vsel vm0, $0x0, v9  }
0x140: {  	v9 =	vxor.u32 $0x80000000, v9  }
0x141: {  	(xrf0) =	vmax.scan.msk.u32 $0xffff, v9;
	_ =	sdelay $0x5  }
0x142: {  	v9, _, _ =	vpop (xrf0)  }
0x143: {  	(v2sf) =	vpush v9, $0xF;
	_ =	sdelay $0xe  }
0x144: {  	s0 =	spop (v2sf)  }
0x145: {  	s15 =	sxor.u32 $0x80000000, s0  }
0x146: {  	p0 =	sge.s32 s7, s15  }
.Ltmp16:
0x147: {  	_ = 	snop;
	(pc) =	sbr.rel @p0 .LBB2_25-.Ltmp16, $1  }
0x148: {  	_ =	sdelay $0x3  }
0x149: {  	s7 =	sadd.s32 $0x1, s1  }
0x14a: {  	p1 =	sne.s32 s0, s7  }
.Ltmp17:
0x14b: {  	_ = 	snop;
	(pc) =	sbr.rel @!p1 .LBB2_20-.Ltmp17, $4  }
0x14c: {  	s16 =	sadd.s32 $0x80000000, s1  }
0x14d: {  	s5 =	sand.u32 $0xF, s16;
	p0 =	slt.s32 s16, $0x80  }
0x14e: {  	p2 =	sne.s32 @!p0 s5, $0x0  }
0x14f: {  	s1 =	sshll.u32 s1, $0x7;
	p3 =	por p2, p0;
	p0 =	por $0x0, $0x0  }
0x150: {  	s8 =	simm.s32 @!p3 $0x3  }
0x151: {  	_ =	swait.ge @!p3 [sflag:s8], $0x800  }
0x152: {  	[sflag:s8] =	ssyncset.done @!p3 $0x0  }
0x153: {  	[sflag:s8] =	ssyncadd.s32 @!p3 $0xFFFFF800;
	s8 =	sand.u32 $0xFFFFFFF0, s16  }
0x154: {  	v9 =	vld [tilespmem:s8+$0x300];
	_ =	sdelay $0x3  }
0x155: {  	v10 =	vmov s5  }
0x156: {  	v9 =	vperm.xlane v9, v10;
	_ =	sdelay $0x1  }
0x157: {  	v10 =	vadd.s32 v5, v9;
	_ =	sdelay $0x4  }
0x158: {  	v9 =	vadd.s32 $0xFFF0BE40, v9;
	v10 =	vld.idx.msk [tilespmem:v10+s17+$0x0], $0xffff  }
0x159: {  	v11 =	vadd.s32 v6, v9;
	_ =	sdelay $0x2  }
0x15a: {  	s9 =	sand.u32 $0x3F80, s1  }
0x15b: {  	[tilespmem:s9+$0x12680] =	vst v10  }
0x15c: {  	v10 =	vld.idx.msk [tilespmem:v11+s17+$0x0], $0xffff  }
0x15d: {  	v11 =	vadd.s32 v7, v9;
	_ =	sdelay $0x3  }
0x15e: {  	[tilespmem:s9+$0x12690] =	vst v10  }
0x15f: {  	v10 =	vld.idx.msk [tilespmem:v11+s17+$0x0], $0xffff  }
0x160: {  	v9 =	vadd.s32 v8, v9;
	_ =	sdelay $0x3  }
0x161: {  	[tilespmem:s9+$0x126A0] =	vst v10  }
0x162: {  	v9 =	vld.idx.msk [tilespmem:v9+s17+$0x0], $0xffff;
	_ =	sdelay $0x4  }
0x163: {  	s13 =	sadd.s32 $0x1, s7;
	p2 =	sne.s32 s5, $0xF;
	[tilespmem:s9+$0x126B0] =	vst v9  }
0x164: {  	p1 =	sne.s32 s0, s13;
	v9 =	vld @!p2 [tilespmem:s8+$0x0]  }
.Ltmp18:
0x165: {  	s16 =	sadd.s32 $0x80000000, s7;
	(pc) =	sbr.rel @!p1 .LBB2_22-.Ltmp18, $4  }
0x166: {  	s5 =	sand.u32 $0xF, s16;
	p0 =	slt.s32 s16, $0x80  }
0x167: {  	p3 =	sne.s32 @!p0 s5, $0x0  }
0x168: {  	s10 =	simm.s32 @!p2 $0x0;
	s7 =	sand.u32 @!p2 $0x3800, s1;
	p3 =	por p3, p0  }
0x169: {  	vm1 =	vmmov @!p2 $0xffff;
	p0 =	por $0x1, $0x1;
	s9 =	sadd.s32 @!p2 $0x12680, s7;
	s7 =	smov.u32 s1  }
.LBB2_23:
0x16a: {  	s8 =	simm.s32 @!p3 $0x3  }
0x16b: {  	s7 =	sadd.s32 $0x80, s7;
	s14 =	smov.u32 s13;
	s13 =	sadd.s32 $0x1, s13  }
0x16c: {  	[hbm4b:s6+s10] =	stream.indirect_vreg.scatter @!p2 [tilespmem:s9], [sflag:$0x3], $0x80, v9, vm1, $0xb8;
	[tilespmem:$0x16680] =	vst v63  }
0x16d: {  	p1 =	sne.s32 s0, s13;
	_ =	swait.ge @!p3 [sflag:s8], $0x800  }
0x16e: {  	[sflag:s8] =	ssyncset.done @!p3 $0x0  }
0x16f: {  	[sflag:s8] =	ssyncadd.s32 @!p3 $0xFFFFF800;
	s8 =	sand.u32 $0xFFFFFFF0, s16  }
0x170: {  	v9 =	vld [tilespmem:s8+$0x300];
	_ =	sdelay $0x3  }
0x171: {  	v10 =	vmov s5  }
0x172: {  	v9 =	vperm.xlane v9, v10;
	_ =	sdelay $0x1  }
0x173: {  	v10 =	vadd.s32 $0xFFF0BE40, v9;
	v9 =	vadd.s32 v5, v9;
	_ =	sdelay $0x4  }
0x174: {  	v9 =	vld.idx.msk [tilespmem:v9+s17+$0x0], $0xffff;
	_ =	sdelay $0x1  }
0x175: {  	v11 =	vadd.s32 v6, v10;
	_ =	sdelay $0x2  }
0x176: {  	s9 =	sand.u32 $0x3F80, s7  }
0x177: {  	[tilespmem:s9+$0x12680] =	vst v9  }
0x178: {  	v9 =	vld.idx.msk [tilespmem:v11+s17+$0x0], $0xffff;
	_ =	sdelay $0x1  }
0x179: {  	v11 =	vadd.s32 v7, v10;
	_ =	sdelay $0x3  }
0x17a: {  	[tilespmem:s9+$0x12690] =	vst v9  }
0x17b: {  	v9 =	vld.idx.msk [tilespmem:v11+s17+$0x0], $0xffff;
	_ =	sdelay $0x1  }
0x17c: {  	v10 =	vadd.s32 v8, v10;
	_ =	sdelay $0x3  }
0x17d: {  	[tilespmem:s9+$0x126A0] =	vst v9  }
0x17e: {  	v9 =	vld.idx.msk [tilespmem:v10+s17+$0x0], $0xffff;
	_ =	sdelay $0x5  }
0x17f: {  	p2 =	sne.s32 s5, $0xF;
	[tilespmem:s9+$0x126B0] =	vst v9  }
0x180: {  	s5 =	sand.u32 @!p2 $0x3800, s7;
	v9 =	vld @!p2 [tilespmem:s8+$0x0]  }
0x181: {  	s9 =	sadd.s32 @!p2 $0x12680, s5  }
.Ltmp19:
0x182: {  	(pc) =	sbr.rel @p1 .LBB2_23-.Ltmp19, $4  }
0x183: {  	s16 =	sadd.s32 $0x80000000, s14  }
0x184: {  	p3 =	slt.s32 s16, $0x80;
	s5 =	sand.u32 $0xF, s16  }
0x185: {  	p4 =	sne.s32 @!p3 s5, $0x0  }
0x186: {  	vm1 =	vmmov @!p2 $0xffff;
	s10 =	simm.s32 @!p2 $0x0;
	p3 =	por p4, p3  }
.LBB2_24:
0x187: {  	_ =	sdelay $0x2  }
0x188: {  	s8 =	simm.s32 @!p3 $0x3;
	p1 =	por p2, !p0  }
0x189: {  	[hbm4b:s6+s10] =	stream.indirect_vreg.scatter @!p1 [tilespmem:s9], [sflag:$0x3], $0x80, v9, vm1, $0xb8;
	[tilespmem:$0x16680] =	vst v63  }
0x18a: {  	_ =	swait.ge @!p3 [sflag:s8], $0x800  }
0x18b: {  	[sflag:s8] =	ssyncset.done @!p3 $0x0  }
0x18c: {  	[sflag:s8] =	ssyncadd.s32 @!p3 $0xFFFFF800;
	s8 =	sand.u32 $0xFFFFFFF0, s16  }
0x18d: {  	v9 =	vld [tilespmem:s8+$0x300];
	_ =	sdelay $0x3  }
0x18e: {  	v10 =	vmov s5  }
0x18f: {  	v9 =	vperm.xlane v9, v10;
	_ =	sdelay $0x1  }
0x190: {  	v10 =	vadd.s32 v5, v9;
	_ =	sdelay $0x4  }
0x191: {  	v9 =	vadd.s32 $0xFFF0BE40, v9;
	v10 =	vld.idx.msk [tilespmem:v10+s17+$0x0], $0xffff  }
0x192: {  	v11 =	vadd.s32 v6, v9  }
0x193: {  	s7 =	sadd.s32 @p0 $0x80, s7  }
0x194: {  	s1 =	smov.u32 @p0 s7  }
0x195: {  	s7 =	sand.u32 $0x3F80, s1  }
0x196: {  	[tilespmem:s7+$0x12680] =	vst v10  }
0x197: {  	v10 =	vld.idx.msk [tilespmem:v11+s17+$0x0], $0xffff  }
0x198: {  	v11 =	vadd.s32 v7, v9;
	_ =	sdelay $0x3  }
0x199: {  	[tilespmem:s7+$0x12690] =	vst v10  }
0x19a: {  	v10 =	vld.idx.msk [tilespmem:v11+s17+$0x0], $0xffff  }
0x19b: {  	v9 =	vadd.s32 v8, v9;
	_ =	sdelay $0x3  }
0x19c: {  	[tilespmem:s7+$0x126A0] =	vst v10  }
0x19d: {  	v9 =	vld.idx.msk [tilespmem:v9+s17+$0x0], $0xffff;
	_ =	sdelay $0x4  }
0x19e: {  	p0 =	sne.s32 s5, $0xF;
	[tilespmem:s7+$0x126B0] =	vst v9  }
0x19f: {  	v9 =	vld @!p0 [tilespmem:s8+$0x0];
	_ =	sdelay $0x5  }
0x1a0: {  	s1 =	sand.u32 @!p0 $0x3800, s1  }
0x1a1: {  	vm1 =	vmmov @!p0 $0xffff;
	s5 =	simm.s32 @!p0 $0x0;
	s1 =	sadd.s32 @!p0 $0x12680, s1  }
0x1a2: {  	[hbm4b:s6+s5] =	stream.indirect_vreg.scatter @!p0 [tilespmem:s1], [sflag:$0x3], $0x80, v9, vm1, $0xb8;
	[tilespmem:$0x16680] =	vst v63  }
.LBB2_25:
0x1a3: {  	s1 =	sand.u32 $0xF, s0  }
0x1a4: {  	p0 =	seq.s32 s1, $0x0  }
0x1a5: {  	s1 =	sand.u32 @!p0 $0xFFFFFF80, s15;
	s5 =	sand.u32 @!p0 $0x70, s0  }
0x1a6: {  	s1 =	sor.u32 @!p0 s5, s1  }
0x1a7: {  	v9 =	vld @!p0 [tilespmem:s1+$0x0];
	_ =	sdelay $0x4  }
0x1a8: {  	s1 =	sshll.u32 @!p0 s0, $0x7  }
0x1a9: {  	s31 =	sadd.s32 $0x8000000F, s0;
	s1 =	sand.u32 @!p0 $0x3800, s1  }
0x1aa: {  	vm1 =	vmmov @!p0 $0xffff;
	s5 =	simm.s32 @!p0 $0x0;
	s0 =	sshra.s32 s31, $0x4;
	s1 =	sadd.s32 @!p0 $0x12680, s1  }
0x1ab: {  	[hbm4b:s6+s5] =	stream.indirect_vreg.scatter @!p0 [tilespmem:s1], [sflag:$0x3], $0x80, v9, vm1, $0xb8;
	[tilespmem:$0x16680] =	vst v63  }
0x1ac: {  	p0 =	slt.s32 s0, $0x1  }
.Ltmp20:
0x1ad: {  	_ = 	snop;
	(pc) =	sbr.rel @p0 .LBB2_29-.Ltmp20, $1  }
0x1ae: {  	_ =	sdelay $0x3  }
0x1af: {  	p0 =	slt.s32 s0, $0x8  }
0x1b0: {  	s0 =	simm.s32 @!p0 $0x8  }
0x1b1: {  	p0 =	sne.s32 s0, $0x1  }
.Ltmp21:
0x1b2: {  	_ = 	snop;
	(pc) =	sbr.rel @!p0 .LBB2_28-.Ltmp21, $3  }
0x1b3: {  	_ =	sdelay $0x1  }
0x1b4: {  	_ =	swait.ge [sflag:s25], $0x800  }
0x1b5: {  	[sflag:s25] =	ssyncset.done $0x0;
	s0 =	sadd.s32 $0xFFFFFFFF, s0  }
.LBB2_27:
0x1b6: {  	p0 =	sne.s32 s0, $0x1;
	s0 =	sadd.s32 $0xFFFFFFFF, s0;
	[sflag:s25] =	ssyncadd.s32 $0xFFFFF800  }
.Ltmp22:
0x1b7: {  	(pc) =	sbr.rel @p0 .LBB2_27-.Ltmp22, $3  }
0x1b8: {  	_ =	sdelay $0x1  }
0x1b9: {  	_ =	swait.ge [sflag:s25], $0x800  }
0x1ba: {  	[sflag:s25] =	ssyncset.done $0x0  }
.Ltmp23:
0x1bb: {  	_ = 	snop;
	(pc) =	sbr.rel .LBB2_28-.Ltmp23, $1  }
0x1bc: {  	_ =	sdelay $0x3  }
.LBB2_20:
.Ltmp24:
0x1bd: {  	(pc) =	sbr.rel .LBB2_24-.Ltmp24, $2  }
0x1be: {  	_ =	sdelay $0x2  }
0x1bf: {  	s7 =	smov.u32 s1  }
.LBB2_22:
.Ltmp25:
0x1c0: {  	(pc) =	sbr.rel .LBB2_24-.Ltmp25, $2  }
0x1c1: {  	_ =	sdelay $0x2  }
0x1c2: {  	s7 =	smov.u32 s1  }
.LBB2_30:
0x1c3: {  	_ =	sfence.sel $0x180000  }
0x1c4: {  	[bflag:$0x0] =	sbarrier.arrive $0xFFFF  }
0x1c5: {  	_ =	strace $0x9000004D  }
0x1c6: {  	s0 =	stileid.u32;
	[bflag:$0x2] =	sbarrier.arrive $0xFFFF  }
0x1c7: {  	p0 =	sne.s32 s0, $0x0;
	s0 =	rddreg [dreg:$0x3]  }
0x1c8: {  	s0 =	sadd.s32 @!p0 $0x100000, s0  }
0x1c9: {  	[sflag:s0] =	ssyncadd.tile.s32 @!p0 $0x1;
	_ =	shalt  }
.Lfunc_end2:
_tile_overlayer_lowered:
.L_overlay_start_2:
0x1ca: {  	(tag) =	ssettag $0x2  }
0x1cb: {  	s0 =	rddreg [dreg:$0x0];
	s2 =	stileid.u32  }
0x1cc: {  	s1 =	rddreg [dreg:$0x1];
	p0 =	sne.s32 s2, $0x0  }
0x1cd: {  	s3 =	rddreg [dreg:$0x2];
	[bflag:$0x3] =	sbarrier.arrive $0xFFFF;
	s2 =	simm.s32 @!p0 $0x1C04  }
0x1ce: {  	[timem:s3], [sflag:s2] =	dma.local @!p0 [hbm:s0], s1  }
0x1cf: {  	s0 =	simm.s32 @!p0 $0x4  }
0x1d0: {  	_ =	swait.ge @!p0 [sflag:s0], s1  }
0x1d1: {  	s1 =	ssub.s32 @!p0 $0x0, s1;
	[sflag:s0] =	ssyncset.done @!p0 $0x0  }
0x1d2: {  	[sflag:s0] =	ssyncadd.s32 @!p0 s1  }
0x1d3: {  	[bflag:$0x3] =	sbarrier.arrive $0xFFFF  }
0x1d4: {  	_ =	shalt  }

</sc_bundles>
